<compile_context>
chip_gen: v7x
topology: tpu7x:2x2x1
jax: 0.10.2.dev20260603
libtpu: 0.0.44.dev20260713+nightly
codegen_flags: <defaults>
</compile_context>

<pallas_src>
import functools

import jax
import jax.numpy as jnp
from jax import lax
from jax.experimental import pallas as pl
from jax.experimental.pallas import tpu as pltpu
from jax.experimental.pallas import tpu_sc as plsc

N = 10000
D = 128
E = 320000
NP = 10240
EP = 327680
CH = 128
NCH = EP // (32 * CH)
ROWS_PER_TILE = NP // 16


def _sc_aggregate(x_in, src_r, dst_r, z_feat, z_cnt):
    mesh = plsc.VectorSubcoreMesh(
        core_axis_name="c", subcore_axis_name="s", num_cores=2, num_subcores=16
    )

    @functools.partial(
        pl.kernel,
        out_type=[
            jax.ShapeDtypeStruct((2, NP, D), jnp.float32),
            jax.ShapeDtypeStruct((32, NP), jnp.float32),
        ],
        mesh=mesh,
        compiler_params=pltpu.CompilerParams(needs_layout_passes=False),
        scratch_types=[
            pltpu.MemorySpace.VMEM_SHARED((NP, D), jnp.float32),
            pltpu.VMEM((NP,), jnp.float32),
            pltpu.VMEM((CH,), jnp.int32),
            pltpu.VMEM((CH,), jnp.int32),
            pltpu.VMEM((CH,), jnp.int32),
            pltpu.VMEM((CH,), jnp.int32),
            pltpu.VMEM((CH, D), jnp.float32),
            pltpu.VMEM((CH, D), jnp.float32),
            pltpu.SemaphoreType.DMA,
            pltpu.SemaphoreType.DMA,
            pltpu.SemaphoreType.DMA,
            pltpu.SemaphoreType.DMA,
            pltpu.SemaphoreType.DMA,
        ],
    )
    def agg(x_hbm, src_hbm, dst_hbm, zf_hbm, zc_hbm, feat_out, cnt_out,
            acc_s, cnt_v, sidx0, sidx1, didx0, didx1, rows0, rows1,
            semi, semg0, semg1, sems0, sems1):
        cid = lax.axis_index("c")
        sid = lax.axis_index("s")
        tile = cid * 16 + sid
        r0 = sid * ROWS_PER_TILE
        ones = jnp.ones((16,), jnp.float32)

        pltpu.sync_copy(zc_hbm, cnt_v)
        pltpu.sync_copy(zf_hbm, rows0)

        zws = []
        for j in range(ROWS_PER_TILE // CH):
            rj = pl.multiple_of(r0 + j * CH, CH)
            zws.append(pltpu.async_copy(rows0, acc_s.at[pl.ds(rj, CH)], semg0))
        for w in zws:
            w.wait()
        plsc.subcore_barrier()

        @pl.loop(0, NCH, step=2)
        def _chunks(k):
            @pl.when(k > 0)
            def _():
                pltpu.make_async_copy(rows0, acc_s.at[didx0], sems0).wait()
                pltpu.make_async_copy(rows1, acc_s.at[didx1], sems1).wait()

            crow = tile * NCH + k
            i0 = pltpu.async_copy(src_hbm.at[crow], sidx0, semi)
            i1 = pltpu.async_copy(src_hbm.at[crow + 1], sidx1, semi)
            i2 = pltpu.async_copy(dst_hbm.at[crow], didx0, semi)
            i3 = pltpu.async_copy(dst_hbm.at[crow + 1], didx1, semi)
            i0.wait(); i1.wait(); i2.wait(); i3.wait()
            g0 = pltpu.async_copy(x_hbm.at[sidx0], rows0, semg0)
            g1 = pltpu.async_copy(x_hbm.at[sidx1], rows1, semg1)
            for j in range(CH // 16):
                plsc.addupdate_scatter(cnt_v, [didx0[pl.ds(j * 16, 16)]], ones)
                plsc.addupdate_scatter(cnt_v, [didx1[pl.ds(j * 16, 16)]], ones)
            g0.wait()
            pltpu.async_copy(rows0, acc_s.at[didx0], sems0, add=True)
            g1.wait()
            pltpu.async_copy(rows1, acc_s.at[didx1], sems1, add=True)

        pltpu.make_async_copy(rows0, acc_s.at[didx0], sems0).wait()
        pltpu.make_async_copy(rows1, acc_s.at[didx1], sems1).wait()
        plsc.subcore_barrier()

        cw = pltpu.async_copy(cnt_v, cnt_out.at[tile], semi)
        rbufs = (rows0, rows1)
        sgs = (semg0, semg1)
        sss = (sems0, sems1)
        nblk = ROWS_PER_TILE // CH
        for j in range(nblk):
            rj = pl.multiple_of(r0 + j * CH, CH)
            b = j % 2
            if j >= 2:
                pltpu.make_async_copy(rbufs[b], feat_out.at[cid, pl.ds(rj, CH)],
                                      sss[b]).wait()
            pltpu.async_copy(acc_s.at[pl.ds(rj, CH)], rbufs[b], sgs[b]).wait()
            pltpu.async_copy(rbufs[b], feat_out.at[cid, pl.ds(rj, CH)], sss[b])
        for j in range(max(nblk - 2, 0), nblk):
            rj = pl.multiple_of(r0 + j * CH, CH)
            pltpu.make_async_copy(rbufs[j % 2], feat_out.at[cid, pl.ds(rj, CH)],
                                  sss[j % 2]).wait()
        cw.wait()

    return agg(x_in, src_r, dst_r, z_feat, z_cnt)


def _tc_combine(acc, cnt_t, x_in, W_l, b_l, W_r, relu):
    BR = 1000
    NB = N // BR

    def body(acc_ref, cnt_ref, x_ref, wl_ref, bl_ref, wr_ref, o_ref):
        a = acc_ref[...]
        s = a[0] + a[1]
        cn = jnp.sum(cnt_ref[...], axis=1, keepdims=True)
        mean = s * (1.0 / jnp.maximum(cn, 1.0))
        h = (jnp.dot(mean, wl_ref[...], preferred_element_type=jnp.float32)
             + bl_ref[...]
             + jnp.dot(x_ref[...], wr_ref[...], preferred_element_type=jnp.float32))
        if relu:
            h = jnp.maximum(h, 0.0)
        o_ref[...] = h

    return pl.pallas_call(
        body,
        grid=(NB,),
        in_specs=[
            pl.BlockSpec((2, BR, D), lambda i: (0, i, 0)),
            pl.BlockSpec((BR, 32), lambda i: (i, 0)),
            pl.BlockSpec((BR, D), lambda i: (i, 0)),
            pl.BlockSpec((D, D), lambda i: (0, 0)),
            pl.BlockSpec((1, D), lambda i: (0, 0)),
            pl.BlockSpec((D, D), lambda i: (0, 0)),
        ],
        out_specs=pl.BlockSpec((BR, D), lambda i: (i, 0)),
        out_shape=jax.ShapeDtypeStruct((N, D), jnp.float32),
    )(acc, cnt_t, x_in, W_l, b_l, W_r)


def _pad_edges(edge_index):
    src = jnp.concatenate(
        [edge_index[0].astype(jnp.int32), jnp.zeros((EP - E,), jnp.int32)]
    ).reshape(EP // CH, CH)
    dst = jnp.concatenate(
        [edge_index[1].astype(jnp.int32), jnp.full((EP - E,), N, jnp.int32)]
    ).reshape(EP // CH, CH)
    return src, dst


def kernel(x, edge_index1, edge_index2, W_l0, b_l0, W_r0, W_l1, b_l1, W_r1):
    src1, dst1 = _pad_edges(edge_index1)
    src2, dst2 = _pad_edges(edge_index2)
    z_feat = jnp.zeros((CH, D), jnp.float32)
    z_cnt = jnp.zeros((NP,), jnp.float32)

    acc1, cnt1 = _sc_aggregate(x, src1, dst1, z_feat, z_cnt)
    h = _tc_combine(acc1, cnt1.T, x, W_l0, b_l0.reshape(1, D), W_r0, True)

    acc2, cnt2 = _sc_aggregate(h, src2, dst2, z_feat, z_cnt)
    return _tc_combine(acc2, cnt2.T, h, W_l1, b_l1.reshape(1, D), W_r1, False)

# --- scband reference (transcript-rebuilt; emitter-appended) ---
"""Pipeline reference for scband-sage-55078660603921 (READ-ONLY COPY).

The authoritative reference and input builder live on the scoring server;
editing this copy changes nothing except your own understanding.
"""

import jax, jax.numpy as jnp
import numpy as np

N = 10000
E = 320000
D_IN = 128
D_HID = 128
D_OUT = 128


def setup_inputs(seed: int = 0) -> dict:
    key = jax.random.key(seed)
    ks = jax.random.split(key, 10)
    x = jax.random.normal(ks[0], (N, D_IN), dtype=jnp.float32)
    edge_index1 = jax.random.randint(ks[1], (2, E), 0, N)
    edge_index2 = jax.random.randint(ks[2], (2, E), 0, N)
    # SAGEConv layer 0 params: lin_l (with bias) applied to aggregated neighbors,
    # lin_r (no bias) applied to root/target features.
    W_l0 = jax.random.normal(ks[3], (D_IN, D_HID), dtype=jnp.float32) * 0.05
    b_l0 = jnp.zeros((D_HID,), dtype=jnp.float32)
    W_r0 = jax.random.normal(ks[4], (D_IN, D_HID), dtype=jnp.float32) * 0.05
    # SAGEConv layer 1 params
    W_l1 = jax.random.normal(ks[5], (D_HID, D_OUT), dtype=jnp.float32) * 0.05
    b_l1 = jnp.zeros((D_OUT,), dtype=jnp.float32)
    W_r1 = jax.random.normal(ks[6], (D_HID, D_OUT), dtype=jnp.float32) * 0.05
    return {
        "x": x,
        "edge_index1": edge_index1,
        "edge_index2": edge_index2,
        "W_l0": W_l0, "b_l0": b_l0, "W_r0": W_r0,
        "W_l1": W_l1, "b_l1": b_l1, "W_r1": W_r1,
    }


def sage_conv(x_src, x_dst, edge_index, W_l, b_l, W_r):
    # PyG SAGEConv with mean aggregation:
    # out = lin_l(mean_{j in N(i)} x_j) + lin_r(x_i)
    src = edge_index[0]
    dst = edge_index[1]
    msgs = jnp.take(x_src, src, axis=0)                      # gather  [E, d]
    num_dst = x_dst.shape[0]
    summed = jax.ops.segment_sum(msgs, dst, num_segments=num_dst)
    cnt = jax.ops.segment_sum(jnp.ones((msgs.shape[0],), dtype=msgs.dtype), dst, num_segments=num_dst)
    mean = summed / jnp.clip(cnt, 1.0)[:, None]
    return mean @ W_l + b_l + x_dst @ W_r


def reference(x, edge_index1, edge_index2, W_l0, b_l0, W_r0, W_l1, b_l1, W_r1):
    # Layer 0: bipartite conv with (x, x_target=x[:N]) == full set here, then ReLU
    h = sage_conv(x, x, edge_index1, W_l0, b_l0, W_r0)
    h = jax.nn.relu(h)
    # Layer 1 (last layer, no ReLU)
    out = sage_conv(h, h, edge_index2, W_l1, b_l1, W_r1)
    return out

if __name__ == "__main__":
    import jax
    _d = setup_inputs()
    print(jax.jit(kernel)(*tuple(_d.values())))

</pallas_src>

<mosaic_0001>
#map = affine_map<(d0, d1) -> (0, 0)>
#map1 = affine_map<(d0, d1) -> (0)>
#map2 = affine_map<(d0, d1) -> (0, 0, 0)>
module attributes {stable_mosaic.version = 14 : i64} {
  func.func @agg(%arg0: i32, %arg1: i32, %arg2: memref<10000x128xf32, #tpu.memory_space<hbm>>, %arg3: memref<2560x128xi32, #tpu.memory_space<hbm>>, %arg4: memref<2560x128xi32, #tpu.memory_space<hbm>>, %arg5: memref<128x128xf32, #tpu.memory_space<hbm>>, %arg6: memref<10240xf32, #tpu.memory_space<hbm>>, %arg7: memref<2x10240x128xf32, #tpu.memory_space<hbm>>, %arg8: memref<32x10240xf32, #tpu.memory_space<hbm>>, %arg9: memref<10240x128xf32, #tpu.memory_space<vmem_shared>>, %arg10: memref<10240xf32, #tpu.memory_space<vmem>>, %arg11: memref<128xi32, #tpu.memory_space<vmem>>, %arg12: memref<128xi32, #tpu.memory_space<vmem>>, %arg13: memref<128xi32, #tpu.memory_space<vmem>>, %arg14: memref<128xi32, #tpu.memory_space<vmem>>, %arg15: memref<128x128xf32, #tpu.memory_space<vmem>>, %arg16: memref<128x128xf32, #tpu.memory_space<vmem>>, %arg17: memref<!tpu.dma_semaphore, #tpu.memory_space<semaphore_mem>>, %arg18: memref<!tpu.dma_semaphore, #tpu.memory_space<semaphore_mem>>, %arg19: memref<!tpu.dma_semaphore, #tpu.memory_space<semaphore_mem>>, %arg20: memref<!tpu.dma_semaphore, #tpu.memory_space<semaphore_mem>>, %arg21: memref<!tpu.dma_semaphore, #tpu.memory_space<semaphore_mem>>) attributes {dimension_semantics = [#tpu.dimension_semantics<core_parallel>, #tpu.dimension_semantics<subcore_parallel>], iteration_bounds = array<i64: 2, 16>, scalar_prefetch = 0 : i64, scratch_operands = 13 : i64, tpu.core_type = #tpu.core_type<sc_vector_subcore>, window_params = [{transform_indices = #map}, {transform_indices = #map}, {transform_indices = #map}, {transform_indices = #map}, {transform_indices = #map1}, {transform_indices = #map2}, {transform_indices = #map}]} {
    %mul3A = arith.constant 16 : i32
    %mul3A_0 = arith.muli %arg0, %mul3A : i32
    %add3A = arith.addi %mul3A_0, %arg1 : i32
    %mul3A_1 = arith.constant 640 : i32
    %mul3A_2 = arith.muli %arg1, %mul3A_1 : i32
    %broadcast_in_dim3A = arith.constant 1.000000e+00 : f32
    %broadcast_in_dim3A_3 = vector.broadcast %broadcast_in_dim3A : f32 to vector<16xf32>
    "tpu.region"() ({
      %run_scoped3A = tpu.sem_alloc : memref<!tpu.dma_semaphore, #tpu.memory_space<semaphore_mem>>
      tpu.enqueue_dma source(%arg6 : memref<10240xf32, #tpu.memory_space<hbm>>) target(%arg10 : memref<10240xf32, #tpu.memory_space<vmem>>) target_semaphore(%run_scoped3A : memref<!tpu.dma_semaphore, #tpu.memory_space<semaphore_mem>>)
      tpu.wait_dma2 semaphore(%run_scoped3A : memref<!tpu.dma_semaphore, #tpu.memory_space<semaphore_mem>>) src(%arg6 : memref<10240xf32, #tpu.memory_space<hbm>>) dst(%arg10 : memref<10240xf32, #tpu.memory_space<vmem>>)
      tpu.yield
    }) : () -> ()
    "tpu.region"() ({
      %run_scoped3A = tpu.sem_alloc : memref<!tpu.dma_semaphore, #tpu.memory_space<semaphore_mem>>
      tpu.enqueue_dma source(%arg5 : memref<128x128xf32, #tpu.memory_space<hbm>>) target(%arg15 : memref<128x128xf32, #tpu.memory_space<vmem>>) target_semaphore(%run_scoped3A : memref<!tpu.dma_semaphore, #tpu.memory_space<semaphore_mem>>)
      tpu.wait_dma2 semaphore(%run_scoped3A : memref<!tpu.dma_semaphore, #tpu.memory_space<semaphore_mem>>) src(%arg5 : memref<128x128xf32, #tpu.memory_space<hbm>>) dst(%arg15 : memref<128x128xf32, #tpu.memory_space<vmem>>)
      tpu.yield
    }) : () -> ()
    %add3A_4 = arith.constant 0 : i32
    %add3A_5 = arith.addi %mul3A_2, %add3A_4 : i32
    %multiple_of3A = tpu.assume_multiple %add3A_5, 128 : i32
    %dma_start3A = arith.constant 0 : i32
    %dma_start3A_6 = tpu.memref_slice %arg9[%multiple_of3A, %dma_start3A] : memref<10240x128xf32, #tpu.memory_space<vmem_shared>> -> memref<128x128xf32, #tpu.memory_space<vmem_shared>>
    %dma_start3A_7 = arith.constant 0 : i32
    %dma_start3A_8 = tpu.memref_slice %arg9[%multiple_of3A, %dma_start3A_7] : memref<10240x128xf32, #tpu.memory_space<vmem_shared>> -> memref<128x128xf32, #tpu.memory_space<vmem_shared>>
    tpu.enqueue_dma source(%arg15 : memref<128x128xf32, #tpu.memory_space<vmem>>) target(%dma_start3A_8 : memref<128x128xf32, #tpu.memory_space<vmem_shared>>) target_semaphore(%arg18 : memref<!tpu.dma_semaphore, #tpu.memory_space<semaphore_mem>>)
    %add3A_9 = arith.constant 128 : i32
    %add3A_10 = arith.addi %mul3A_2, %add3A_9 : i32
    %multiple_of3A_11 = tpu.assume_multiple %add3A_10, 128 : i32
    %dma_start3A_12 = arith.constant 0 : i32
    %dma_start3A_13 = tpu.memref_slice %arg9[%multiple_of3A_11, %dma_start3A_12] : memref<10240x128xf32, #tpu.memory_space<vmem_shared>> -> memref<128x128xf32, #tpu.memory_space<vmem_shared>>
    %dma_start3A_14 = arith.constant 0 : i32
    %dma_start3A_15 = tpu.memref_slice %arg9[%multiple_of3A_11, %dma_start3A_14] : memref<10240x128xf32, #tpu.memory_space<vmem_shared>> -> memref<128x128xf32, #tpu.memory_space<vmem_shared>>
    tpu.enqueue_dma source(%arg15 : memref<128x128xf32, #tpu.memory_space<vmem>>) target(%dma_start3A_15 : memref<128x128xf32, #tpu.memory_space<vmem_shared>>) target_semaphore(%arg18 : memref<!tpu.dma_semaphore, #tpu.memory_space<semaphore_mem>>)
    %add3A_16 = arith.constant 256 : i32
    %add3A_17 = arith.addi %mul3A_2, %add3A_16 : i32
    %multiple_of3A_18 = tpu.assume_multiple %add3A_17, 128 : i32
    %dma_start3A_19 = arith.constant 0 : i32
    %dma_start3A_20 = tpu.memref_slice %arg9[%multiple_of3A_18, %dma_start3A_19] : memref<10240x128xf32, #tpu.memory_space<vmem_shared>> -> memref<128x128xf32, #tpu.memory_space<vmem_shared>>
    %dma_start3A_21 = arith.constant 0 : i32
    %dma_start3A_22 = tpu.memref_slice %arg9[%multiple_of3A_18, %dma_start3A_21] : memref<10240x128xf32, #tpu.memory_space<vmem_shared>> -> memref<128x128xf32, #tpu.memory_space<vmem_shared>>
    tpu.enqueue_dma source(%arg15 : memref<128x128xf32, #tpu.memory_space<vmem>>) target(%dma_start3A_22 : memref<128x128xf32, #tpu.memory_space<vmem_shared>>) target_semaphore(%arg18 : memref<!tpu.dma_semaphore, #tpu.memory_space<semaphore_mem>>)
    %add3A_23 = arith.constant 384 : i32
    %add3A_24 = arith.addi %mul3A_2, %add3A_23 : i32
    %multiple_of3A_25 = tpu.assume_multiple %add3A_24, 128 : i32
    %dma_start3A_26 = arith.constant 0 : i32
    %dma_start3A_27 = tpu.memref_slice %arg9[%multiple_of3A_25, %dma_start3A_26] : memref<10240x128xf32, #tpu.memory_space<vmem_shared>> -> memref<128x128xf32, #tpu.memory_space<vmem_shared>>
    %dma_start3A_28 = arith.constant 0 : i32
    %dma_start3A_29 = tpu.memref_slice %arg9[%multiple_of3A_25, %dma_start3A_28] : memref<10240x128xf32, #tpu.memory_space<vmem_shared>> -> memref<128x128xf32, #tpu.memory_space<vmem_shared>>
    tpu.enqueue_dma source(%arg15 : memref<128x128xf32, #tpu.memory_space<vmem>>) target(%dma_start3A_29 : memref<128x128xf32, #tpu.memory_space<vmem_shared>>) target_semaphore(%arg18 : memref<!tpu.dma_semaphore, #tpu.memory_space<semaphore_mem>>)
    %add3A_30 = arith.constant 512 : i32
    %add3A_31 = arith.addi %mul3A_2, %add3A_30 : i32
    %multiple_of3A_32 = tpu.assume_multiple %add3A_31, 128 : i32
    %dma_start3A_33 = arith.constant 0 : i32
    %dma_start3A_34 = tpu.memref_slice %arg9[%multiple_of3A_32, %dma_start3A_33] : memref<10240x128xf32, #tpu.memory_space<vmem_shared>> -> memref<128x128xf32, #tpu.memory_space<vmem_shared>>
    %dma_start3A_35 = arith.constant 0 : i32
    %dma_start3A_36 = tpu.memref_slice %arg9[%multiple_of3A_32, %dma_start3A_35] : memref<10240x128xf32, #tpu.memory_space<vmem_shared>> -> memref<128x128xf32, #tpu.memory_space<vmem_shared>>
    tpu.enqueue_dma source(%arg15 : memref<128x128xf32, #tpu.memory_space<vmem>>) target(%dma_start3A_36 : memref<128x128xf32, #tpu.memory_space<vmem_shared>>) target_semaphore(%arg18 : memref<!tpu.dma_semaphore, #tpu.memory_space<semaphore_mem>>)
    %dma_wait3A = arith.constant 0 : i32
    %dma_wait3A_37 = tpu.memref_slice %arg9[%multiple_of3A, %dma_wait3A] : memref<10240x128xf32, #tpu.memory_space<vmem_shared>> -> memref<128x128xf32, #tpu.memory_space<vmem_shared>>
    %dma_wait3A_38 = arith.constant 0 : i32
    %dma_wait3A_39 = tpu.memref_slice %arg9[%multiple_of3A, %dma_wait3A_38] : memref<10240x128xf32, #tpu.memory_space<vmem_shared>> -> memref<128x128xf32, #tpu.memory_space<vmem_shared>>
    tpu.wait_dma2 semaphore(%arg18 : memref<!tpu.dma_semaphore, #tpu.memory_space<semaphore_mem>>) src(%arg15 : memref<128x128xf32, #tpu.memory_space<vmem>>) dst(%dma_wait3A_39 : memref<128x128xf32, #tpu.memory_space<vmem_shared>>)
    %dma_wait3A_40 = arith.constant 0 : i32
    %dma_wait3A_41 = tpu.memref_slice %arg9[%multiple_of3A_11, %dma_wait3A_40] : memref<10240x128xf32, #tpu.memory_space<vmem_shared>> -> memref<128x128xf32, #tpu.memory_space<vmem_shared>>
    %dma_wait3A_42 = arith.constant 0 : i32
    %dma_wait3A_43 = tpu.memref_slice %arg9[%multiple_of3A_11, %dma_wait3A_42] : memref<10240x128xf32, #tpu.memory_space<vmem_shared>> -> memref<128x128xf32, #tpu.memory_space<vmem_shared>>
    tpu.wait_dma2 semaphore(%arg18 : memref<!tpu.dma_semaphore, #tpu.memory_space<semaphore_mem>>) src(%arg15 : memref<128x128xf32, #tpu.memory_space<vmem>>) dst(%dma_wait3A_43 : memref<128x128xf32, #tpu.memory_space<vmem_shared>>)
    %dma_wait3A_44 = arith.constant 0 : i32
    %dma_wait3A_45 = tpu.memref_slice %arg9[%multiple_of3A_18, %dma_wait3A_44] : memref<10240x128xf32, #tpu.memory_space<vmem_shared>> -> memref<128x128xf32, #tpu.memory_space<vmem_shared>>
    %dma_wait3A_46 = arith.constant 0 : i32
    %dma_wait3A_47 = tpu.memref_slice %arg9[%multiple_of3A_18, %dma_wait3A_46] : memref<10240x128xf32, #tpu.memory_space<vmem_shared>> -> memref<128x128xf32, #tpu.memory_space<vmem_shared>>
    tpu.wait_dma2 semaphore(%arg18 : memref<!tpu.dma_semaphore, #tpu.memory_space<semaphore_mem>>) src(%arg15 : memref<128x128xf32, #tpu.memory_space<vmem>>) dst(%dma_wait3A_47 : memref<128x128xf32, #tpu.memory_space<vmem_shared>>)
    %dma_wait3A_48 = arith.constant 0 : i32
    %dma_wait3A_49 = tpu.memref_slice %arg9[%multiple_of3A_25, %dma_wait3A_48] : memref<10240x128xf32, #tpu.memory_space<vmem_shared>> -> memref<128x128xf32, #tpu.memory_space<vmem_shared>>
    %dma_wait3A_50 = arith.constant 0 : i32
    %dma_wait3A_51 = tpu.memref_slice %arg9[%multiple_of3A_25, %dma_wait3A_50] : memref<10240x128xf32, #tpu.memory_space<vmem_shared>> -> memref<128x128xf32, #tpu.memory_space<vmem_shared>>
    tpu.wait_dma2 semaphore(%arg18 : memref<!tpu.dma_semaphore, #tpu.memory_space<semaphore_mem>>) src(%arg15 : memref<128x128xf32, #tpu.memory_space<vmem>>) dst(%dma_wait3A_51 : memref<128x128xf32, #tpu.memory_space<vmem_shared>>)
    %dma_wait3A_52 = arith.constant 0 : i32
    %dma_wait3A_53 = tpu.memref_slice %arg9[%multiple_of3A_32, %dma_wait3A_52] : memref<10240x128xf32, #tpu.memory_space<vmem_shared>> -> memref<128x128xf32, #tpu.memory_space<vmem_shared>>
    %dma_wait3A_54 = arith.constant 0 : i32
    %dma_wait3A_55 = tpu.memref_slice %arg9[%multiple_of3A_32, %dma_wait3A_54] : memref<10240x128xf32, #tpu.memory_space<vmem_shared>> -> memref<128x128xf32, #tpu.memory_space<vmem_shared>>
    tpu.wait_dma2 semaphore(%arg18 : memref<!tpu.dma_semaphore, #tpu.memory_space<semaphore_mem>>) src(%arg15 : memref<128x128xf32, #tpu.memory_space<vmem>>) dst(%dma_wait3A_55 : memref<128x128xf32, #tpu.memory_space<vmem_shared>>)
    %barrier3A = arith.constant 0 : index
    tpu.barrier barrier_id(%barrier3A)
    %scan3A = arith.constant 0 : i32
    %scan3A_56 = arith.constant 40 : i32
    %scan3A_57 = arith.addi %scan3A, %scan3A_56 : i32
    %scan3A_58 = arith.constant 1 : i32
    scf.for %scan3A_200 = %scan3A to %scan3A_57 step %scan3A_58  : i32 {
      %mul3A_201 = arith.constant 2 : i32
      %mul3A_202 = arith.muli %scan3A_200, %mul3A_201 : i32
      %add3A_203 = arith.constant 0 : i32
      %add3A_204 = arith.addi %add3A_203, %mul3A_202 : i32
      %gt3A = arith.constant 0 : i32
      %gt3A_205 = arith.cmpi sgt, %add3A_204, %gt3A : i32
      %convert_element_type3A = arith.extui %gt3A_205 : i1 to i32
      %cond3A = arith.constant 0 : i32
      %cond3A_206 = arith.cmpi ne, %convert_element_type3A, %cond3A : i32
      scf.if %cond3A_206 {
        %dma_wait3A_311 = arith.constant 0 : i32
        %dma_wait3A_312 = arith.constant 0 : i32
        %dma_wait3A_313 = tpu.memref_slice %arg9[%dma_wait3A_311, %dma_wait3A_312] : memref<10240x128xf32, #tpu.memory_space<vmem_shared>> -> memref<10240x128xf32, #tpu.memory_space<vmem_shared>>
        tpu.wait_indirect_dma semaphore(%arg20 : memref<!tpu.dma_semaphore, #tpu.memory_space<semaphore_mem>>) src(%arg15 : memref<128x128xf32, #tpu.memory_space<vmem>>) dst(%dma_wait3A_313 : memref<10240x128xf32, #tpu.memory_space<vmem_shared>>)
        %dma_wait3A_314 = arith.constant 0 : i32
        %dma_wait3A_315 = arith.constant 0 : i32
        %dma_wait3A_316 = tpu.memref_slice %arg9[%dma_wait3A_314, %dma_wait3A_315] : memref<10240x128xf32, #tpu.memory_space<vmem_shared>> -> memref<10240x128xf32, #tpu.memory_space<vmem_shared>>
        tpu.wait_indirect_dma semaphore(%arg21 : memref<!tpu.dma_semaphore, #tpu.memory_space<semaphore_mem>>) src(%arg16 : memref<128x128xf32, #tpu.memory_space<vmem>>) dst(%dma_wait3A_316 : memref<10240x128xf32, #tpu.memory_space<vmem_shared>>)
      } else {
      }
      %mul3A_207 = arith.constant 80 : i32
      %mul3A_208 = arith.muli %add3A, %mul3A_207 : i32
      %add3A_209 = arith.addi %mul3A_208, %add3A_204 : i32
      %dma_start3A_210 = arith.constant 0 : i32
      %dma_start3A_211 = tpu.memref_slice %arg3[%add3A_209, %dma_start3A_210] : memref<2560x128xi32, #tpu.memory_space<hbm>> -> memref<1x128xi32, #tpu.memory_space<hbm>>
      %dma_start3A_212 = tpu.memref_squeeze %dma_start3A_211 : memref<1x128xi32, #tpu.memory_space<hbm>> -> memref<128xi32, #tpu.memory_space<hbm>>
      %dma_start3A_213 = arith.constant 0 : i32
      %dma_start3A_214 = tpu.memref_slice %arg3[%add3A_209, %dma_start3A_213] : memref<2560x128xi32, #tpu.memory_space<hbm>> -> memref<1x128xi32, #tpu.memory_space<hbm>>
      %dma_start3A_215 = tpu.memref_squeeze %dma_start3A_214 : memref<1x128xi32, #tpu.memory_space<hbm>> -> memref<128xi32, #tpu.memory_space<hbm>>
      tpu.enqueue_dma source(%dma_start3A_215 : memref<128xi32, #tpu.memory_space<hbm>>) target(%arg11 : memref<128xi32, #tpu.memory_space<vmem>>) target_semaphore(%arg17 : memref<!tpu.dma_semaphore, #tpu.memory_space<semaphore_mem>>)
      %add3A_216 = arith.constant 1 : i32
      %add3A_217 = arith.addi %add3A_209, %add3A_216 : i32
      %dma_start3A_218 = arith.constant 0 : i32
      %dma_start3A_219 = tpu.memref_slice %arg3[%add3A_217, %dma_start3A_218] : memref<2560x128xi32, #tpu.memory_space<hbm>> -> memref<1x128xi32, #tpu.memory_space<hbm>>
      %dma_start3A_220 = tpu.memref_squeeze %dma_start3A_219 : memref<1x128xi32, #tpu.memory_space<hbm>> -> memref<128xi32, #tpu.memory_space<hbm>>
      %dma_start3A_221 = arith.constant 0 : i32
      %dma_start3A_222 = tpu.memref_slice %arg3[%add3A_217, %dma_start3A_221] : memref<2560x128xi32, #tpu.memory_space<hbm>> -> memref<1x128xi32, #tpu.memory_space<hbm>>
      %dma_start3A_223 = tpu.memref_squeeze %dma_start3A_222 : memref<1x128xi32, #tpu.memory_space<hbm>> -> memref<128xi32, #tpu.memory_space<hbm>>
      tpu.enqueue_dma source(%dma_start3A_223 : memref<128xi32, #tpu.memory_space<hbm>>) target(%arg12 : memref<128xi32, #tpu.memory_space<vmem>>) target_semaphore(%arg17 : memref<!tpu.dma_semaphore, #tpu.memory_space<semaphore_mem>>)
      %dma_start3A_224 = arith.constant 0 : i32
      %dma_start3A_225 = tpu.memref_slice %arg4[%add3A_209, %dma_start3A_224] : memref<2560x128xi32, #tpu.memory_space<hbm>> -> memref<1x128xi32, #tpu.memory_space<hbm>>
      %dma_start3A_226 = tpu.memref_squeeze %dma_start3A_225 : memref<1x128xi32, #tpu.memory_space<hbm>> -> memref<128xi32, #tpu.memory_space<hbm>>
      %dma_start3A_227 = arith.constant 0 : i32
      %dma_start3A_228 = tpu.memref_slice %arg4[%add3A_209, %dma_start3A_227] : memref<2560x128xi32, #tpu.memory_space<hbm>> -> memref<1x128xi32, #tpu.memory_space<hbm>>
      %dma_start3A_229 = tpu.memref_squeeze %dma_start3A_228 : memref<1x128xi32, #tpu.memory_space<hbm>> -> memref<128xi32, #tpu.memory_space<hbm>>
      tpu.enqueue_dma source(%dma_start3A_229 : memref<128xi32, #tpu.memory_space<hbm>>) target(%arg13 : memref<128xi32, #tpu.memory_space<vmem>>) target_semaphore(%arg17 : memref<!tpu.dma_semaphore, #tpu.memory_space<semaphore_mem>>)
      %add3A_230 = arith.constant 1 : i32
      %add3A_231 = arith.addi %add3A_209, %add3A_230 : i32
      %dma_start3A_232 = arith.constant 0 : i32
      %dma_start3A_233 = tpu.memref_slice %arg4[%add3A_231, %dma_start3A_232] : memref<2560x128xi32, #tpu.memory_space<hbm>> -> memref<1x128xi32, #tpu.memory_space<hbm>>
      %dma_start3A_234 = tpu.memref_squeeze %dma_start3A_233 : memref<1x128xi32, #tpu.memory_space<hbm>> -> memref<128xi32, #tpu.memory_space<hbm>>
      %dma_start3A_235 = arith.constant 0 : i32
      %dma_start3A_236 = tpu.memref_slice %arg4[%add3A_231, %dma_start3A_235] : memref<2560x128xi32, #tpu.memory_space<hbm>> -> memref<1x128xi32, #tpu.memory_space<hbm>>
      %dma_start3A_237 = tpu.memref_squeeze %dma_start3A_236 : memref<1x128xi32, #tpu.memory_space<hbm>> -> memref<128xi32, #tpu.memory_space<hbm>>
      tpu.enqueue_dma source(%dma_start3A_237 : memref<128xi32, #tpu.memory_space<hbm>>) target(%arg14 : memref<128xi32, #tpu.memory_space<vmem>>) target_semaphore(%arg17 : memref<!tpu.dma_semaphore, #tpu.memory_space<semaphore_mem>>)
      %dma_wait3A_238 = arith.constant 0 : i32
      %dma_wait3A_239 = tpu.memref_slice %arg3[%add3A_209, %dma_wait3A_238] : memref<2560x128xi32, #tpu.memory_space<hbm>> -> memref<1x128xi32, #tpu.memory_space<hbm>>
      %dma_wait3A_240 = tpu.memref_squeeze %dma_wait3A_239 : memref<1x128xi32, #tpu.memory_space<hbm>> -> memref<128xi32, #tpu.memory_space<hbm>>
      %dma_wait3A_241 = arith.constant 0 : i32
      %dma_wait3A_242 = tpu.memref_slice %arg3[%add3A_209, %dma_wait3A_241] : memref<2560x128xi32, #tpu.memory_space<hbm>> -> memref<1x128xi32, #tpu.memory_space<hbm>>
      %dma_wait3A_243 = tpu.memref_squeeze %dma_wait3A_242 : memref<1x128xi32, #tpu.memory_space<hbm>> -> memref<128xi32, #tpu.memory_space<hbm>>
      tpu.wait_dma2 semaphore(%arg17 : memref<!tpu.dma_semaphore, #tpu.memory_space<semaphore_mem>>) src(%dma_wait3A_243 : memref<128xi32, #tpu.memory_space<hbm>>) dst(%arg11 : memref<128xi32, #tpu.memory_space<vmem>>)
      %dma_wait3A_244 = arith.constant 0 : i32
      %dma_wait3A_245 = tpu.memref_slice %arg3[%add3A_217, %dma_wait3A_244] : memref<2560x128xi32, #tpu.memory_space<hbm>> -> memref<1x128xi32, #tpu.memory_space<hbm>>
      %dma_wait3A_246 = tpu.memref_squeeze %dma_wait3A_245 : memref<1x128xi32, #tpu.memory_space<hbm>> -> memref<128xi32, #tpu.memory_space<hbm>>
      %dma_wait3A_247 = arith.constant 0 : i32
      %dma_wait3A_248 = tpu.memref_slice %arg3[%add3A_217, %dma_wait3A_247] : memref<2560x128xi32, #tpu.memory_space<hbm>> -> memref<1x128xi32, #tpu.memory_space<hbm>>
      %dma_wait3A_249 = tpu.memref_squeeze %dma_wait3A_248 : memref<1x128xi32, #tpu.memory_space<hbm>> -> memref<128xi32, #tpu.memory_space<hbm>>
      tpu.wait_dma2 semaphore(%arg17 : memref<!tpu.dma_semaphore, #tpu.memory_space<semaphore_mem>>) src(%dma_wait3A_249 : memref<128xi32, #tpu.memory_space<hbm>>) dst(%arg12 : memref<128xi32, #tpu.memory_space<vmem>>)
      %dma_wait3A_250 = arith.constant 0 : i32
      %dma_wait3A_251 = tpu.memref_slice %arg4[%add3A_209, %dma_wait3A_250] : memref<2560x128xi32, #tpu.memory_space<hbm>> -> memref<1x128xi32, #tpu.memory_space<hbm>>
      %dma_wait3A_252 = tpu.memref_squeeze %dma_wait3A_251 : memref<1x128xi32, #tpu.memory_space<hbm>> -> memref<128xi32, #tpu.memory_space<hbm>>
      %dma_wait3A_253 = arith.constant 0 : i32
      %dma_wait3A_254 = tpu.memref_slice %arg4[%add3A_209, %dma_wait3A_253] : memref<2560x128xi32, #tpu.memory_space<hbm>> -> memref<1x128xi32, #tpu.memory_space<hbm>>
      %dma_wait3A_255 = tpu.memref_squeeze %dma_wait3A_254 : memref<1x128xi32, #tpu.memory_space<hbm>> -> memref<128xi32, #tpu.memory_space<hbm>>
      tpu.wait_dma2 semaphore(%arg17 : memref<!tpu.dma_semaphore, #tpu.memory_space<semaphore_mem>>) src(%dma_wait3A_255 : memref<128xi32, #tpu.memory_space<hbm>>) dst(%arg13 : memref<128xi32, #tpu.memory_space<vmem>>)
      %dma_wait3A_256 = arith.constant 0 : i32
      %dma_wait3A_257 = tpu.memref_slice %arg4[%add3A_231, %dma_wait3A_256] : memref<2560x128xi32, #tpu.memory_space<hbm>> -> memref<1x128xi32, #tpu.memory_space<hbm>>
      %dma_wait3A_258 = tpu.memref_squeeze %dma_wait3A_257 : memref<1x128xi32, #tpu.memory_space<hbm>> -> memref<128xi32, #tpu.memory_space<hbm>>
      %dma_wait3A_259 = arith.constant 0 : i32
      %dma_wait3A_260 = tpu.memref_slice %arg4[%add3A_231, %dma_wait3A_259] : memref<2560x128xi32, #tpu.memory_space<hbm>> -> memref<1x128xi32, #tpu.memory_space<hbm>>
      %dma_wait3A_261 = tpu.memref_squeeze %dma_wait3A_260 : memref<1x128xi32, #tpu.memory_space<hbm>> -> memref<128xi32, #tpu.memory_space<hbm>>
      tpu.wait_dma2 semaphore(%arg17 : memref<!tpu.dma_semaphore, #tpu.memory_space<semaphore_mem>>) src(%dma_wait3A_261 : memref<128xi32, #tpu.memory_space<hbm>>) dst(%arg14 : memref<128xi32, #tpu.memory_space<vmem>>)
      %dma_start3A_262 = arith.constant 0 : i32
      %dma_start3A_263 = arith.constant 0 : i32
      %dma_start3A_264 = tpu.memref_slice %arg2[%dma_start3A_262, %dma_start3A_263] : memref<10000x128xf32, #tpu.memory_space<hbm>> -> memref<10000x128xf32, #tpu.memory_space<hbm>>
      tpu.enqueue_indirect_dma source(%dma_start3A_264 : memref<10000x128xf32, #tpu.memory_space<hbm>>) target(%arg15 : memref<128x128xf32, #tpu.memory_space<vmem>>) offsets(%arg11 : memref<128xi32, #tpu.memory_space<vmem>>) semaphore(%arg18 : memref<!tpu.dma_semaphore, #tpu.memory_space<semaphore_mem>>)
      %dma_start3A_265 = arith.constant 0 : i32
      %dma_start3A_266 = arith.constant 0 : i32
      %dma_start3A_267 = tpu.memref_slice %arg2[%dma_start3A_265, %dma_start3A_266] : memref<10000x128xf32, #tpu.memory_space<hbm>> -> memref<10000x128xf32, #tpu.memory_space<hbm>>
      tpu.enqueue_indirect_dma source(%dma_start3A_267 : memref<10000x128xf32, #tpu.memory_space<hbm>>) target(%arg16 : memref<128x128xf32, #tpu.memory_space<vmem>>) offsets(%arg12 : memref<128xi32, #tpu.memory_space<vmem>>) semaphore(%arg19 : memref<!tpu.dma_semaphore, #tpu.memory_space<semaphore_mem>>)
      %get3A = arith.constant 0 : index
      %get3A_268 = tpu.vector_load %arg13[%get3A] {strides = array<i32>} : memref<128xi32, #tpu.memory_space<vmem>>, vector<16xi32>,
      tpu.vector_store_idx %arg10[%get3A_268], %broadcast_in_dim3A_3 {add = true} : memref<10240xf32, #tpu.memory_space<vmem>>[vector<16xi32>], vector<16xf32>,
      %get3A_269 = arith.constant 0 : index
      %get3A_270 = tpu.vector_load %arg14[%get3A_269] {strides = array<i32>} : memref<128xi32, #tpu.memory_space<vmem>>, vector<16xi32>,
      tpu.vector_store_idx %arg10[%get3A_270], %broadcast_in_dim3A_3 {add = true} : memref<10240xf32, #tpu.memory_space<vmem>>[vector<16xi32>], vector<16xf32>,
      %get3A_271 = arith.constant 16 : index
      %get3A_272 = tpu.vector_load %arg13[%get3A_271] {strides = array<i32>} : memref<128xi32, #tpu.memory_space<vmem>>, vector<16xi32>,
      tpu.vector_store_idx %arg10[%get3A_272], %broadcast_in_dim3A_3 {add = true} : memref<10240xf32, #tpu.memory_space<vmem>>[vector<16xi32>], vector<16xf32>,
      %get3A_273 = arith.constant 16 : index
      %get3A_274 = tpu.vector_load %arg14[%get3A_273] {strides = array<i32>} : memref<128xi32, #tpu.memory_space<vmem>>, vector<16xi32>,
      tpu.vector_store_idx %arg10[%get3A_274], %broadcast_in_dim3A_3 {add = true} : memref<10240xf32, #tpu.memory_space<vmem>>[vector<16xi32>], vector<16xf32>,
      %get3A_275 = arith.constant 32 : index
      %get3A_276 = tpu.vector_load %arg13[%get3A_275] {strides = array<i32>} : memref<128xi32, #tpu.memory_space<vmem>>, vector<16xi32>,
      tpu.vector_store_idx %arg10[%get3A_276], %broadcast_in_dim3A_3 {add = true} : memref<10240xf32, #tpu.memory_space<vmem>>[vector<16xi32>], vector<16xf32>,
      %get3A_277 = arith.constant 32 : index
      %get3A_278 = tpu.vector_load %arg14[%get3A_277] {strides = array<i32>} : memref<128xi32, #tpu.memory_space<vmem>>, vector<16xi32>,
      tpu.vector_store_idx %arg10[%get3A_278], %broadcast_in_dim3A_3 {add = true} : memref<10240xf32, #tpu.memory_space<vmem>>[vector<16xi32>], vector<16xf32>,
      %get3A_279 = arith.constant 48 : index
      %get3A_280 = tpu.vector_load %arg13[%get3A_279] {strides = array<i32>} : memref<128xi32, #tpu.memory_space<vmem>>, vector<16xi32>,
      tpu.vector_store_idx %arg10[%get3A_280], %broadcast_in_dim3A_3 {add = true} : memref<10240xf32, #tpu.memory_space<vmem>>[vector<16xi32>], vector<16xf32>,
      %get3A_281 = arith.constant 48 : index
      %get3A_282 = tpu.vector_load %arg14[%get3A_281] {strides = array<i32>} : memref<128xi32, #tpu.memory_space<vmem>>, vector<16xi32>,
      tpu.vector_store_idx %arg10[%get3A_282], %broadcast_in_dim3A_3 {add = true} : memref<10240xf32, #tpu.memory_space<vmem>>[vector<16xi32>], vector<16xf32>,
      %get3A_283 = arith.constant 64 : index
      %get3A_284 = tpu.vector_load %arg13[%get3A_283] {strides = array<i32>} : memref<128xi32, #tpu.memory_space<vmem>>, vector<16xi32>,
      tpu.vector_store_idx %arg10[%get3A_284], %broadcast_in_dim3A_3 {add = true} : memref<10240xf32, #tpu.memory_space<vmem>>[vector<16xi32>], vector<16xf32>,
      %get3A_285 = arith.constant 64 : index
      %get3A_286 = tpu.vector_load %arg14[%get3A_285] {strides = array<i32>} : memref<128xi32, #tpu.memory_space<vmem>>, vector<16xi32>,
      tpu.vector_store_idx %arg10[%get3A_286], %broadcast_in_dim3A_3 {add = true} : memref<10240xf32, #tpu.memory_space<vmem>>[vector<16xi32>], vector<16xf32>,
      %get3A_287 = arith.constant 80 : index
      %get3A_288 = tpu.vector_load %arg13[%get3A_287] {strides = array<i32>} : memref<128xi32, #tpu.memory_space<vmem>>, vector<16xi32>,
      tpu.vector_store_idx %arg10[%get3A_288], %broadcast_in_dim3A_3 {add = true} : memref<10240xf32, #tpu.memory_space<vmem>>[vector<16xi32>], vector<16xf32>,
      %get3A_289 = arith.constant 80 : index
      %get3A_290 = tpu.vector_load %arg14[%get3A_289] {strides = array<i32>} : memref<128xi32, #tpu.memory_space<vmem>>, vector<16xi32>,
      tpu.vector_store_idx %arg10[%get3A_290], %broadcast_in_dim3A_3 {add = true} : memref<10240xf32, #tpu.memory_space<vmem>>[vector<16xi32>], vector<16xf32>,
      %get3A_291 = arith.constant 96 : index
      %get3A_292 = tpu.vector_load %arg13[%get3A_291] {strides = array<i32>} : memref<128xi32, #tpu.memory_space<vmem>>, vector<16xi32>,
      tpu.vector_store_idx %arg10[%get3A_292], %broadcast_in_dim3A_3 {add = true} : memref<10240xf32, #tpu.memory_space<vmem>>[vector<16xi32>], vector<16xf32>,
      %get3A_293 = arith.constant 96 : index
      %get3A_294 = tpu.vector_load %arg14[%get3A_293] {strides = array<i32>} : memref<128xi32, #tpu.memory_space<vmem>>, vector<16xi32>,
      tpu.vector_store_idx %arg10[%get3A_294], %broadcast_in_dim3A_3 {add = true} : memref<10240xf32, #tpu.memory_space<vmem>>[vector<16xi32>], vector<16xf32>,
      %get3A_295 = arith.constant 112 : index
      %get3A_296 = tpu.vector_load %arg13[%get3A_295] {strides = array<i32>} : memref<128xi32, #tpu.memory_space<vmem>>, vector<16xi32>,
      tpu.vector_store_idx %arg10[%get3A_296], %broadcast_in_dim3A_3 {add = true} : memref<10240xf32, #tpu.memory_space<vmem>>[vector<16xi32>], vector<16xf32>,
      %get3A_297 = arith.constant 112 : index
      %get3A_298 = tpu.vector_load %arg14[%get3A_297] {strides = array<i32>} : memref<128xi32, #tpu.memory_space<vmem>>, vector<16xi32>,
      tpu.vector_store_idx %arg10[%get3A_298], %broadcast_in_dim3A_3 {add = true} : memref<10240xf32, #tpu.memory_space<vmem>>[vector<16xi32>], vector<16xf32>,
      %dma_wait3A_299 = arith.constant 0 : i32
      %dma_wait3A_300 = arith.constant 0 : i32
      %dma_wait3A_301 = tpu.memref_slice %arg2[%dma_wait3A_299, %dma_wait3A_300] : memref<10000x128xf32, #tpu.memory_space<hbm>> -> memref<10000x128xf32, #tpu.memory_space<hbm>>
      tpu.wait_indirect_dma semaphore(%arg18 : memref<!tpu.dma_semaphore, #tpu.memory_space<semaphore_mem>>) src(%dma_wait3A_301 : memref<10000x128xf32, #tpu.memory_space<hbm>>) dst(%arg15 : memref<128x128xf32, #tpu.memory_space<vmem>>)
      %dma_start3A_302 = arith.constant 0 : i32
      %dma_start3A_303 = arith.constant 0 : i32
      %dma_start3A_304 = tpu.memref_slice %arg9[%dma_start3A_302, %dma_start3A_303] : memref<10240x128xf32, #tpu.memory_space<vmem_shared>> -> memref<10240x128xf32, #tpu.memory_space<vmem_shared>>
      tpu.enqueue_indirect_dma source(%arg15 : memref<128x128xf32, #tpu.memory_space<vmem>>) target(%dma_start3A_304 : memref<10240x128xf32, #tpu.memory_space<vmem_shared>>) offsets(%arg13 : memref<128xi32, #tpu.memory_space<vmem>>) semaphore(%arg20 : memref<!tpu.dma_semaphore, #tpu.memory_space<semaphore_mem>>) {add = true}
      %dma_wait3A_305 = arith.constant 0 : i32
      %dma_wait3A_306 = arith.constant 0 : i32
      %dma_wait3A_307 = tpu.memref_slice %arg2[%dma_wait3A_305, %dma_wait3A_306] : memref<10000x128xf32, #tpu.memory_space<hbm>> -> memref<10000x128xf32, #tpu.memory_space<hbm>>
      tpu.wait_indirect_dma semaphore(%arg19 : memref<!tpu.dma_semaphore, #tpu.memory_space<semaphore_mem>>) src(%dma_wait3A_307 : memref<10000x128xf32, #tpu.memory_space<hbm>>) dst(%arg16 : memref<128x128xf32, #tpu.memory_space<vmem>>)
      %dma_start3A_308 = arith.constant 0 : i32
      %dma_start3A_309 = arith.constant 0 : i32
      %dma_start3A_310 = tpu.memref_slice %arg9[%dma_start3A_308, %dma_start3A_309] : memref<10240x128xf32, #tpu.memory_space<vmem_shared>> -> memref<10240x128xf32, #tpu.memory_space<vmem_shared>>
      tpu.enqueue_indirect_dma source(%arg16 : memref<128x128xf32, #tpu.memory_space<vmem>>) target(%dma_start3A_310 : memref<10240x128xf32, #tpu.memory_space<vmem_shared>>) offsets(%arg14 : memref<128xi32, #tpu.memory_space<vmem>>) semaphore(%arg21 : memref<!tpu.dma_semaphore, #tpu.memory_space<semaphore_mem>>) {add = true}
    }
    %scan3A_59 = arith.constant 40 : i32
    %dma_wait3A_60 = arith.constant 0 : i32
    %dma_wait3A_61 = arith.constant 0 : i32
    %dma_wait3A_62 = tpu.memref_slice %arg9[%dma_wait3A_60, %dma_wait3A_61] : memref<10240x128xf32, #tpu.memory_space<vmem_shared>> -> memref<10240x128xf32, #tpu.memory_space<vmem_shared>>
    tpu.wait_indirect_dma semaphore(%arg20 : memref<!tpu.dma_semaphore, #tpu.memory_space<semaphore_mem>>) src(%arg15 : memref<128x128xf32, #tpu.memory_space<vmem>>) dst(%dma_wait3A_62 : memref<10240x128xf32, #tpu.memory_space<vmem_shared>>)
    %dma_wait3A_63 = arith.constant 0 : i32
    %dma_wait3A_64 = arith.constant 0 : i32
    %dma_wait3A_65 = tpu.memref_slice %arg9[%dma_wait3A_63, %dma_wait3A_64] : memref<10240x128xf32, #tpu.memory_space<vmem_shared>> -> memref<10240x128xf32, #tpu.memory_space<vmem_shared>>
    tpu.wait_indirect_dma semaphore(%arg21 : memref<!tpu.dma_semaphore, #tpu.memory_space<semaphore_mem>>) src(%arg16 : memref<128x128xf32, #tpu.memory_space<vmem>>) dst(%dma_wait3A_65 : memref<10240x128xf32, #tpu.memory_space<vmem_shared>>)
    %barrier3A_66 = arith.constant 0 : index
    tpu.barrier barrier_id(%barrier3A_66)
    %dma_start3A_67 = arith.constant 0 : i32
    %dma_start3A_68 = tpu.memref_slice %arg8[%add3A, %dma_start3A_67] : memref<32x10240xf32, #tpu.memory_space<hbm>> -> memref<1x10240xf32, #tpu.memory_space<hbm>>
    %dma_start3A_69 = tpu.memref_squeeze %dma_start3A_68 : memref<1x10240xf32, #tpu.memory_space<hbm>> -> memref<10240xf32, #tpu.memory_space<hbm>>
    %dma_start3A_70 = arith.constant 0 : i32
    %dma_start3A_71 = tpu.memref_slice %arg8[%add3A, %dma_start3A_70] : memref<32x10240xf32, #tpu.memory_space<hbm>> -> memref<1x10240xf32, #tpu.memory_space<hbm>>
    %dma_start3A_72 = tpu.memref_squeeze %dma_start3A_71 : memref<1x10240xf32, #tpu.memory_space<hbm>> -> memref<10240xf32, #tpu.memory_space<hbm>>
    tpu.enqueue_dma source(%arg10 : memref<10240xf32, #tpu.memory_space<vmem>>) target(%dma_start3A_72 : memref<10240xf32, #tpu.memory_space<hbm>>) target_semaphore(%arg17 : memref<!tpu.dma_semaphore, #tpu.memory_space<semaphore_mem>>)
    %add3A_73 = arith.constant 0 : i32
    %add3A_74 = arith.addi %mul3A_2, %add3A_73 : i32
    %multiple_of3A_75 = tpu.assume_multiple %add3A_74, 128 : i32
    %dma_start3A_76 = arith.constant 0 : i32
    %dma_start3A_77 = tpu.memref_slice %arg9[%multiple_of3A_75, %dma_start3A_76] : memref<10240x128xf32, #tpu.memory_space<vmem_shared>> -> memref<128x128xf32, #tpu.memory_space<vmem_shared>>
    %dma_start3A_78 = arith.constant 0 : i32
    %dma_start3A_79 = tpu.memref_slice %arg9[%multiple_of3A_75, %dma_start3A_78] : memref<10240x128xf32, #tpu.memory_space<vmem_shared>> -> memref<128x128xf32, #tpu.memory_space<vmem_shared>>
    tpu.enqueue_dma source(%dma_start3A_79 : memref<128x128xf32, #tpu.memory_space<vmem_shared>>) target(%arg15 : memref<128x128xf32, #tpu.memory_space<vmem>>) target_semaphore(%arg18 : memref<!tpu.dma_semaphore, #tpu.memory_space<semaphore_mem>>)
    %dma_wait3A_80 = arith.constant 0 : i32
    %dma_wait3A_81 = tpu.memref_slice %arg9[%multiple_of3A_75, %dma_wait3A_80] : memref<10240x128xf32, #tpu.memory_space<vmem_shared>> -> memref<128x128xf32, #tpu.memory_space<vmem_shared>>
    %dma_wait3A_82 = arith.constant 0 : i32
    %dma_wait3A_83 = tpu.memref_slice %arg9[%multiple_of3A_75, %dma_wait3A_82] : memref<10240x128xf32, #tpu.memory_space<vmem_shared>> -> memref<128x128xf32, #tpu.memory_space<vmem_shared>>
    tpu.wait_dma2 semaphore(%arg18 : memref<!tpu.dma_semaphore, #tpu.memory_space<semaphore_mem>>) src(%dma_wait3A_83 : memref<128x128xf32, #tpu.memory_space<vmem_shared>>) dst(%arg15 : memref<128x128xf32, #tpu.memory_space<vmem>>)
    %dma_start3A_84 = arith.constant 0 : i32
    %dma_start3A_85 = tpu.memref_slice %arg7[%arg0, %multiple_of3A_75, %dma_start3A_84] : memref<2x10240x128xf32, #tpu.memory_space<hbm>> -> memref<1x128x128xf32, #tpu.memory_space<hbm>>
    %dma_start3A_86 = tpu.memref_squeeze %dma_start3A_85 : memref<1x128x128xf32, #tpu.memory_space<hbm>> -> memref<128x128xf32, #tpu.memory_space<hbm>>
    %dma_start3A_87 = arith.constant 0 : i32
    %dma_start3A_88 = tpu.memref_slice %arg7[%arg0, %multiple_of3A_75, %dma_start3A_87] : memref<2x10240x128xf32, #tpu.memory_space<hbm>> -> memref<1x128x128xf32, #tpu.memory_space<hbm>>
    %dma_start3A_89 = tpu.memref_squeeze %dma_start3A_88 : memref<1x128x128xf32, #tpu.memory_space<hbm>> -> memref<128x128xf32, #tpu.memory_space<hbm>>
    tpu.enqueue_dma source(%arg15 : memref<128x128xf32, #tpu.memory_space<vmem>>) target(%dma_start3A_89 : memref<128x128xf32, #tpu.memory_space<hbm>>) target_semaphore(%arg20 : memref<!tpu.dma_semaphore, #tpu.memory_space<semaphore_mem>>)
    %add3A_90 = arith.constant 128 : i32
    %add3A_91 = arith.addi %mul3A_2, %add3A_90 : i32
    %multiple_of3A_92 = tpu.assume_multiple %add3A_91, 128 : i32
    %dma_start3A_93 = arith.constant 0 : i32
    %dma_start3A_94 = tpu.memref_slice %arg9[%multiple_of3A_92, %dma_start3A_93] : memref<10240x128xf32, #tpu.memory_space<vmem_shared>> -> memref<128x128xf32, #tpu.memory_space<vmem_shared>>
    %dma_start3A_95 = arith.constant 0 : i32
    %dma_start3A_96 = tpu.memref_slice %arg9[%multiple_of3A_92, %dma_start3A_95] : memref<10240x128xf32, #tpu.memory_space<vmem_shared>> -> memref<128x128xf32, #tpu.memory_space<vmem_shared>>
    tpu.enqueue_dma source(%dma_start3A_96 : memref<128x128xf32, #tpu.memory_space<vmem_shared>>) target(%arg16 : memref<128x128xf32, #tpu.memory_space<vmem>>) target_semaphore(%arg19 : memref<!tpu.dma_semaphore, #tpu.memory_space<semaphore_mem>>)
    %dma_wait3A_97 = arith.constant 0 : i32
    %dma_wait3A_98 = tpu.memref_slice %arg9[%multiple_of3A_92, %dma_wait3A_97] : memref<10240x128xf32, #tpu.memory_space<vmem_shared>> -> memref<128x128xf32, #tpu.memory_space<vmem_shared>>
    %dma_wait3A_99 = arith.constant 0 : i32
    %dma_wait3A_100 = tpu.memref_slice %arg9[%multiple_of3A_92, %dma_wait3A_99] : memref<10240x128xf32, #tpu.memory_space<vmem_shared>> -> memref<128x128xf32, #tpu.memory_space<vmem_shared>>
    tpu.wait_dma2 semaphore(%arg19 : memref<!tpu.dma_semaphore, #tpu.memory_space<semaphore_mem>>) src(%dma_wait3A_100 : memref<128x128xf32, #tpu.memory_space<vmem_shared>>) dst(%arg16 : memref<128x128xf32, #tpu.memory_space<vmem>>)
    %dma_start3A_101 = arith.constant 0 : i32
    %dma_start3A_102 = tpu.memref_slice %arg7[%arg0, %multiple_of3A_92, %dma_start3A_101] : memref<2x10240x128xf32, #tpu.memory_space<hbm>> -> memref<1x128x128xf32, #tpu.memory_space<hbm>>
    %dma_start3A_103 = tpu.memref_squeeze %dma_start3A_102 : memref<1x128x128xf32, #tpu.memory_space<hbm>> -> memref<128x128xf32, #tpu.memory_space<hbm>>
    %dma_start3A_104 = arith.constant 0 : i32
    %dma_start3A_105 = tpu.memref_slice %arg7[%arg0, %multiple_of3A_92, %dma_start3A_104] : memref<2x10240x128xf32, #tpu.memory_space<hbm>> -> memref<1x128x128xf32, #tpu.memory_space<hbm>>
    %dma_start3A_106 = tpu.memref_squeeze %dma_start3A_105 : memref<1x128x128xf32, #tpu.memory_space<hbm>> -> memref<128x128xf32, #tpu.memory_space<hbm>>
    tpu.enqueue_dma source(%arg16 : memref<128x128xf32, #tpu.memory_space<vmem>>) target(%dma_start3A_106 : memref<128x128xf32, #tpu.memory_space<hbm>>) target_semaphore(%arg21 : memref<!tpu.dma_semaphore, #tpu.memory_space<semaphore_mem>>)
    %add3A_107 = arith.constant 256 : i32
    %add3A_108 = arith.addi %mul3A_2, %add3A_107 : i32
    %multiple_of3A_109 = tpu.assume_multiple %add3A_108, 128 : i32
    %dma_wait3A_110 = arith.constant 0 : i32
    %dma_wait3A_111 = tpu.memref_slice %arg7[%arg0, %multiple_of3A_109, %dma_wait3A_110] : memref<2x10240x128xf32, #tpu.memory_space<hbm>> -> memref<1x128x128xf32, #tpu.memory_space<hbm>>
    %dma_wait3A_112 = tpu.memref_squeeze %dma_wait3A_111 : memref<1x128x128xf32, #tpu.memory_space<hbm>> -> memref<128x128xf32, #tpu.memory_space<hbm>>
    %dma_wait3A_113 = arith.constant 0 : i32
    %dma_wait3A_114 = tpu.memref_slice %arg7[%arg0, %multiple_of3A_109, %dma_wait3A_113] : memref<2x10240x128xf32, #tpu.memory_space<hbm>> -> memref<1x128x128xf32, #tpu.memory_space<hbm>>
    %dma_wait3A_115 = tpu.memref_squeeze %dma_wait3A_114 : memref<1x128x128xf32, #tpu.memory_space<hbm>> -> memref<128x128xf32, #tpu.memory_space<hbm>>
    tpu.wait_dma2 semaphore(%arg20 : memref<!tpu.dma_semaphore, #tpu.memory_space<semaphore_mem>>) src(%arg15 : memref<128x128xf32, #tpu.memory_space<vmem>>) dst(%dma_wait3A_115 : memref<128x128xf32, #tpu.memory_space<hbm>>)
    %dma_start3A_116 = arith.constant 0 : i32
    %dma_start3A_117 = tpu.memref_slice %arg9[%multiple_of3A_109, %dma_start3A_116] : memref<10240x128xf32, #tpu.memory_space<vmem_shared>> -> memref<128x128xf32, #tpu.memory_space<vmem_shared>>
    %dma_start3A_118 = arith.constant 0 : i32
    %dma_start3A_119 = tpu.memref_slice %arg9[%multiple_of3A_109, %dma_start3A_118] : memref<10240x128xf32, #tpu.memory_space<vmem_shared>> -> memref<128x128xf32, #tpu.memory_space<vmem_shared>>
    tpu.enqueue_dma source(%dma_start3A_119 : memref<128x128xf32, #tpu.memory_space<vmem_shared>>) target(%arg15 : memref<128x128xf32, #tpu.memory_space<vmem>>) target_semaphore(%arg18 : memref<!tpu.dma_semaphore, #tpu.memory_space<semaphore_mem>>)
    %dma_wait3A_120 = arith.constant 0 : i32
    %dma_wait3A_121 = tpu.memref_slice %arg9[%multiple_of3A_109, %dma_wait3A_120] : memref<10240x128xf32, #tpu.memory_space<vmem_shared>> -> memref<128x128xf32, #tpu.memory_space<vmem_shared>>
    %dma_wait3A_122 = arith.constant 0 : i32
    %dma_wait3A_123 = tpu.memref_slice %arg9[%multiple_of3A_109, %dma_wait3A_122] : memref<10240x128xf32, #tpu.memory_space<vmem_shared>> -> memref<128x128xf32, #tpu.memory_space<vmem_shared>>
    tpu.wait_dma2 semaphore(%arg18 : memref<!tpu.dma_semaphore, #tpu.memory_space<semaphore_mem>>) src(%dma_wait3A_123 : memref<128x128xf32, #tpu.memory_space<vmem_shared>>) dst(%arg15 : memref<128x128xf32, #tpu.memory_space<vmem>>)
    %dma_start3A_124 = arith.constant 0 : i32
    %dma_start3A_125 = tpu.memref_slice %arg7[%arg0, %multiple_of3A_109, %dma_start3A_124] : memref<2x10240x128xf32, #tpu.memory_space<hbm>> -> memref<1x128x128xf32, #tpu.memory_space<hbm>>
    %dma_start3A_126 = tpu.memref_squeeze %dma_start3A_125 : memref<1x128x128xf32, #tpu.memory_space<hbm>> -> memref<128x128xf32, #tpu.memory_space<hbm>>
    %dma_start3A_127 = arith.constant 0 : i32
    %dma_start3A_128 = tpu.memref_slice %arg7[%arg0, %multiple_of3A_109, %dma_start3A_127] : memref<2x10240x128xf32, #tpu.memory_space<hbm>> -> memref<1x128x128xf32, #tpu.memory_space<hbm>>
    %dma_start3A_129 = tpu.memref_squeeze %dma_start3A_128 : memref<1x128x128xf32, #tpu.memory_space<hbm>> -> memref<128x128xf32, #tpu.memory_space<hbm>>
    tpu.enqueue_dma source(%arg15 : memref<128x128xf32, #tpu.memory_space<vmem>>) target(%dma_start3A_129 : memref<128x128xf32, #tpu.memory_space<hbm>>) target_semaphore(%arg20 : memref<!tpu.dma_semaphore, #tpu.memory_space<semaphore_mem>>)
    %add3A_130 = arith.constant 384 : i32
    %add3A_131 = arith.addi %mul3A_2, %add3A_130 : i32
    %multiple_of3A_132 = tpu.assume_multiple %add3A_131, 128 : i32
    %dma_wait3A_133 = arith.constant 0 : i32
    %dma_wait3A_134 = tpu.memref_slice %arg7[%arg0, %multiple_of3A_132, %dma_wait3A_133] : memref<2x10240x128xf32, #tpu.memory_space<hbm>> -> memref<1x128x128xf32, #tpu.memory_space<hbm>>
    %dma_wait3A_135 = tpu.memref_squeeze %dma_wait3A_134 : memref<1x128x128xf32, #tpu.memory_space<hbm>> -> memref<128x128xf32, #tpu.memory_space<hbm>>
    %dma_wait3A_136 = arith.constant 0 : i32
    %dma_wait3A_137 = tpu.memref_slice %arg7[%arg0, %multiple_of3A_132, %dma_wait3A_136] : memref<2x10240x128xf32, #tpu.memory_space<hbm>> -> memref<1x128x128xf32, #tpu.memory_space<hbm>>
    %dma_wait3A_138 = tpu.memref_squeeze %dma_wait3A_137 : memref<1x128x128xf32, #tpu.memory_space<hbm>> -> memref<128x128xf32, #tpu.memory_space<hbm>>
    tpu.wait_dma2 semaphore(%arg21 : memref<!tpu.dma_semaphore, #tpu.memory_space<semaphore_mem>>) src(%arg16 : memref<128x128xf32, #tpu.memory_space<vmem>>) dst(%dma_wait3A_138 : memref<128x128xf32, #tpu.memory_space<hbm>>)
    %dma_start3A_139 = arith.constant 0 : i32
    %dma_start3A_140 = tpu.memref_slice %arg9[%multiple_of3A_132, %dma_start3A_139] : memref<10240x128xf32, #tpu.memory_space<vmem_shared>> -> memref<128x128xf32, #tpu.memory_space<vmem_shared>>
    %dma_start3A_141 = arith.constant 0 : i32
    %dma_start3A_142 = tpu.memref_slice %arg9[%multiple_of3A_132, %dma_start3A_141] : memref<10240x128xf32, #tpu.memory_space<vmem_shared>> -> memref<128x128xf32, #tpu.memory_space<vmem_shared>>
    tpu.enqueue_dma source(%dma_start3A_142 : memref<128x128xf32, #tpu.memory_space<vmem_shared>>) target(%arg16 : memref<128x128xf32, #tpu.memory_space<vmem>>) target_semaphore(%arg19 : memref<!tpu.dma_semaphore, #tpu.memory_space<semaphore_mem>>)
    %dma_wait3A_143 = arith.constant 0 : i32
    %dma_wait3A_144 = tpu.memref_slice %arg9[%multiple_of3A_132, %dma_wait3A_143] : memref<10240x128xf32, #tpu.memory_space<vmem_shared>> -> memref<128x128xf32, #tpu.memory_space<vmem_shared>>
    %dma_wait3A_145 = arith.constant 0 : i32
    %dma_wait3A_146 = tpu.memref_slice %arg9[%multiple_of3A_132, %dma_wait3A_145] : memref<10240x128xf32, #tpu.memory_space<vmem_shared>> -> memref<128x128xf32, #tpu.memory_space<vmem_shared>>
    tpu.wait_dma2 semaphore(%arg19 : memref<!tpu.dma_semaphore, #tpu.memory_space<semaphore_mem>>) src(%dma_wait3A_146 : memref<128x128xf32, #tpu.memory_space<vmem_shared>>) dst(%arg16 : memref<128x128xf32, #tpu.memory_space<vmem>>)
    %dma_start3A_147 = arith.constant 0 : i32
    %dma_start3A_148 = tpu.memref_slice %arg7[%arg0, %multiple_of3A_132, %dma_start3A_147] : memref<2x10240x128xf32, #tpu.memory_space<hbm>> -> memref<1x128x128xf32, #tpu.memory_space<hbm>>
    %dma_start3A_149 = tpu.memref_squeeze %dma_start3A_148 : memref<1x128x128xf32, #tpu.memory_space<hbm>> -> memref<128x128xf32, #tpu.memory_space<hbm>>
    %dma_start3A_150 = arith.constant 0 : i32
    %dma_start3A_151 = tpu.memref_slice %arg7[%arg0, %multiple_of3A_132, %dma_start3A_150] : memref<2x10240x128xf32, #tpu.memory_space<hbm>> -> memref<1x128x128xf32, #tpu.memory_space<hbm>>
    %dma_start3A_152 = tpu.memref_squeeze %dma_start3A_151 : memref<1x128x128xf32, #tpu.memory_space<hbm>> -> memref<128x128xf32, #tpu.memory_space<hbm>>
    tpu.enqueue_dma source(%arg16 : memref<128x128xf32, #tpu.memory_space<vmem>>) target(%dma_start3A_152 : memref<128x128xf32, #tpu.memory_space<hbm>>) target_semaphore(%arg21 : memref<!tpu.dma_semaphore, #tpu.memory_space<semaphore_mem>>)
    %add3A_153 = arith.constant 512 : i32
    %add3A_154 = arith.addi %mul3A_2, %add3A_153 : i32
    %multiple_of3A_155 = tpu.assume_multiple %add3A_154, 128 : i32
    %dma_wait3A_156 = arith.constant 0 : i32
    %dma_wait3A_157 = tpu.memref_slice %arg7[%arg0, %multiple_of3A_155, %dma_wait3A_156] : memref<2x10240x128xf32, #tpu.memory_space<hbm>> -> memref<1x128x128xf32, #tpu.memory_space<hbm>>
    %dma_wait3A_158 = tpu.memref_squeeze %dma_wait3A_157 : memref<1x128x128xf32, #tpu.memory_space<hbm>> -> memref<128x128xf32, #tpu.memory_space<hbm>>
    %dma_wait3A_159 = arith.constant 0 : i32
    %dma_wait3A_160 = tpu.memref_slice %arg7[%arg0, %multiple_of3A_155, %dma_wait3A_159] : memref<2x10240x128xf32, #tpu.memory_space<hbm>> -> memref<1x128x128xf32, #tpu.memory_space<hbm>>
    %dma_wait3A_161 = tpu.memref_squeeze %dma_wait3A_160 : memref<1x128x128xf32, #tpu.memory_space<hbm>> -> memref<128x128xf32, #tpu.memory_space<hbm>>
    tpu.wait_dma2 semaphore(%arg20 : memref<!tpu.dma_semaphore, #tpu.memory_space<semaphore_mem>>) src(%arg15 : memref<128x128xf32, #tpu.memory_space<vmem>>) dst(%dma_wait3A_161 : memref<128x128xf32, #tpu.memory_space<hbm>>)
    %dma_start3A_162 = arith.constant 0 : i32
    %dma_start3A_163 = tpu.memref_slice %arg9[%multiple_of3A_155, %dma_start3A_162] : memref<10240x128xf32, #tpu.memory_space<vmem_shared>> -> memref<128x128xf32, #tpu.memory_space<vmem_shared>>
    %dma_start3A_164 = arith.constant 0 : i32
    %dma_start3A_165 = tpu.memref_slice %arg9[%multiple_of3A_155, %dma_start3A_164] : memref<10240x128xf32, #tpu.memory_space<vmem_shared>> -> memref<128x128xf32, #tpu.memory_space<vmem_shared>>
    tpu.enqueue_dma source(%dma_start3A_165 : memref<128x128xf32, #tpu.memory_space<vmem_shared>>) target(%arg15 : memref<128x128xf32, #tpu.memory_space<vmem>>) target_semaphore(%arg18 : memref<!tpu.dma_semaphore, #tpu.memory_space<semaphore_mem>>)
    %dma_wait3A_166 = arith.constant 0 : i32
    %dma_wait3A_167 = tpu.memref_slice %arg9[%multiple_of3A_155, %dma_wait3A_166] : memref<10240x128xf32, #tpu.memory_space<vmem_shared>> -> memref<128x128xf32, #tpu.memory_space<vmem_shared>>
    %dma_wait3A_168 = arith.constant 0 : i32
    %dma_wait3A_169 = tpu.memref_slice %arg9[%multiple_of3A_155, %dma_wait3A_168] : memref<10240x128xf32, #tpu.memory_space<vmem_shared>> -> memref<128x128xf32, #tpu.memory_space<vmem_shared>>
    tpu.wait_dma2 semaphore(%arg18 : memref<!tpu.dma_semaphore, #tpu.memory_space<semaphore_mem>>) src(%dma_wait3A_169 : memref<128x128xf32, #tpu.memory_space<vmem_shared>>) dst(%arg15 : memref<128x128xf32, #tpu.memory_space<vmem>>)
    %dma_start3A_170 = arith.constant 0 : i32
    %dma_start3A_171 = tpu.memref_slice %arg7[%arg0, %multiple_of3A_155, %dma_start3A_170] : memref<2x10240x128xf32, #tpu.memory_space<hbm>> -> memref<1x128x128xf32, #tpu.memory_space<hbm>>
    %dma_start3A_172 = tpu.memref_squeeze %dma_start3A_171 : memref<1x128x128xf32, #tpu.memory_space<hbm>> -> memref<128x128xf32, #tpu.memory_space<hbm>>
    %dma_start3A_173 = arith.constant 0 : i32
    %dma_start3A_174 = tpu.memref_slice %arg7[%arg0, %multiple_of3A_155, %dma_start3A_173] : memref<2x10240x128xf32, #tpu.memory_space<hbm>> -> memref<1x128x128xf32, #tpu.memory_space<hbm>>
    %dma_start3A_175 = tpu.memref_squeeze %dma_start3A_174 : memref<1x128x128xf32, #tpu.memory_space<hbm>> -> memref<128x128xf32, #tpu.memory_space<hbm>>
    tpu.enqueue_dma source(%arg15 : memref<128x128xf32, #tpu.memory_space<vmem>>) target(%dma_start3A_175 : memref<128x128xf32, #tpu.memory_space<hbm>>) target_semaphore(%arg20 : memref<!tpu.dma_semaphore, #tpu.memory_space<semaphore_mem>>)
    %add3A_176 = arith.constant 384 : i32
    %add3A_177 = arith.addi %mul3A_2, %add3A_176 : i32
    %multiple_of3A_178 = tpu.assume_multiple %add3A_177, 128 : i32
    %dma_wait3A_179 = arith.constant 0 : i32
    %dma_wait3A_180 = tpu.memref_slice %arg7[%arg0, %multiple_of3A_178, %dma_wait3A_179] : memref<2x10240x128xf32, #tpu.memory_space<hbm>> -> memref<1x128x128xf32, #tpu.memory_space<hbm>>
    %dma_wait3A_181 = tpu.memref_squeeze %dma_wait3A_180 : memref<1x128x128xf32, #tpu.memory_space<hbm>> -> memref<128x128xf32, #tpu.memory_space<hbm>>
    %dma_wait3A_182 = arith.constant 0 : i32
    %dma_wait3A_183 = tpu.memref_slice %arg7[%arg0, %multiple_of3A_178, %dma_wait3A_182] : memref<2x10240x128xf32, #tpu.memory_space<hbm>> -> memref<1x128x128xf32, #tpu.memory_space<hbm>>
    %dma_wait3A_184 = tpu.memref_squeeze %dma_wait3A_183 : memref<1x128x128xf32, #tpu.memory_space<hbm>> -> memref<128x128xf32, #tpu.memory_space<hbm>>
    tpu.wait_dma2 semaphore(%arg21 : memref<!tpu.dma_semaphore, #tpu.memory_space<semaphore_mem>>) src(%arg16 : memref<128x128xf32, #tpu.memory_space<vmem>>) dst(%dma_wait3A_184 : memref<128x128xf32, #tpu.memory_space<hbm>>)
    %add3A_185 = arith.constant 512 : i32
    %add3A_186 = arith.addi %mul3A_2, %add3A_185 : i32
    %multiple_of3A_187 = tpu.assume_multiple %add3A_186, 128 : i32
    %dma_wait3A_188 = arith.constant 0 : i32
    %dma_wait3A_189 = tpu.memref_slice %arg7[%arg0, %multiple_of3A_187, %dma_wait3A_188] : memref<2x10240x128xf32, #tpu.memory_space<hbm>> -> memref<1x128x128xf32, #tpu.memory_space<hbm>>
    %dma_wait3A_190 = tpu.memref_squeeze %dma_wait3A_189 : memref<1x128x128xf32, #tpu.memory_space<hbm>> -> memref<128x128xf32, #tpu.memory_space<hbm>>
    %dma_wait3A_191 = arith.constant 0 : i32
    %dma_wait3A_192 = tpu.memref_slice %arg7[%arg0, %multiple_of3A_187, %dma_wait3A_191] : memref<2x10240x128xf32, #tpu.memory_space<hbm>> -> memref<1x128x128xf32, #tpu.memory_space<hbm>>
    %dma_wait3A_193 = tpu.memref_squeeze %dma_wait3A_192 : memref<1x128x128xf32, #tpu.memory_space<hbm>> -> memref<128x128xf32, #tpu.memory_space<hbm>>
    tpu.wait_dma2 semaphore(%arg20 : memref<!tpu.dma_semaphore, #tpu.memory_space<semaphore_mem>>) src(%arg15 : memref<128x128xf32, #tpu.memory_space<vmem>>) dst(%dma_wait3A_193 : memref<128x128xf32, #tpu.memory_space<hbm>>)
    %dma_wait3A_194 = arith.constant 0 : i32
    %dma_wait3A_195 = tpu.memref_slice %arg8[%add3A, %dma_wait3A_194] : memref<32x10240xf32, #tpu.memory_space<hbm>> -> memref<1x10240xf32, #tpu.memory_space<hbm>>
    %dma_wait3A_196 = tpu.memref_squeeze %dma_wait3A_195 : memref<1x10240xf32, #tpu.memory_space<hbm>> -> memref<10240xf32, #tpu.memory_space<hbm>>
    %dma_wait3A_197 = arith.constant 0 : i32
    %dma_wait3A_198 = tpu.memref_slice %arg8[%add3A, %dma_wait3A_197] : memref<32x10240xf32, #tpu.memory_space<hbm>> -> memref<1x10240xf32, #tpu.memory_space<hbm>>
    %dma_wait3A_199 = tpu.memref_squeeze %dma_wait3A_198 : memref<1x10240xf32, #tpu.memory_space<hbm>> -> memref<10240xf32, #tpu.memory_space<hbm>>
    tpu.wait_dma2 semaphore(%arg17 : memref<!tpu.dma_semaphore, #tpu.memory_space<semaphore_mem>>) src(%arg10 : memref<10240xf32, #tpu.memory_space<vmem>>) dst(%dma_wait3A_199 : memref<10240xf32, #tpu.memory_space<hbm>>)
    return
  }
}

#map = affine_map<(d0, d1) -> (0, 0)>
#map1 = affine_map<(d0, d1) -> (0)>
#map2 = affine_map<(d0, d1) -> (0, 0, 0)>
module attributes {stable_mosaic.version = 14 : i64} {
  func.func @agg(%arg0: i32, %arg1: i32, %arg2: memref<10000x128xf32, #tpu.memory_space<hbm>>, %arg3: memref<2560x128xi32, #tpu.memory_space<hbm>>, %arg4: memref<2560x128xi32, #tpu.memory_space<hbm>>, %arg5: memref<128x128xf32, #tpu.memory_space<hbm>>, %arg6: memref<10240xf32, #tpu.memory_space<hbm>>, %arg7: memref<2x10240x128xf32, #tpu.memory_space<hbm>>, %arg8: memref<32x10240xf32, #tpu.memory_space<hbm>>, %arg9: memref<10240x128xf32, #tpu.memory_space<vmem_shared>>, %arg10: memref<10240xf32, #tpu.memory_space<vmem>>, %arg11: memref<128xi32, #tpu.memory_space<vmem>>, %arg12: memref<128xi32, #tpu.memory_space<vmem>>, %arg13: memref<128xi32, #tpu.memory_space<vmem>>, %arg14: memref<128xi32, #tpu.memory_space<vmem>>, %arg15: memref<128x128xf32, #tpu.memory_space<vmem>>, %arg16: memref<128x128xf32, #tpu.memory_space<vmem>>, %arg17: memref<!tpu.dma_semaphore, #tpu.memory_space<semaphore_mem>>, %arg18: memref<!tpu.dma_semaphore, #tpu.memory_space<semaphore_mem>>, %arg19: memref<!tpu.dma_semaphore, #tpu.memory_space<semaphore_mem>>, %arg20: memref<!tpu.dma_semaphore, #tpu.memory_space<semaphore_mem>>, %arg21: memref<!tpu.dma_semaphore, #tpu.memory_space<semaphore_mem>>) attributes {dimension_semantics = [#tpu.dimension_semantics<core_parallel>, #tpu.dimension_semantics<subcore_parallel>], iteration_bounds = array<i64: 2, 16>, scalar_prefetch = 0 : i64, scratch_operands = 13 : i64, tpu.core_type = #tpu.core_type<sc_vector_subcore>, window_params = [{transform_indices = #map}, {transform_indices = #map}, {transform_indices = #map}, {transform_indices = #map}, {transform_indices = #map1}, {transform_indices = #map2}, {transform_indices = #map}]} {
    %mul3A = arith.constant 16 : i32
    %mul3A_0 = arith.muli %arg0, %mul3A : i32
    %add3A = arith.addi %mul3A_0, %arg1 : i32
    %mul3A_1 = arith.constant 640 : i32
    %mul3A_2 = arith.muli %arg1, %mul3A_1 : i32
    %broadcast_in_dim3A = arith.constant 1.000000e+00 : f32
    %broadcast_in_dim3A_3 = vector.broadcast %broadcast_in_dim3A : f32 to vector<16xf32>
    "tpu.region"() ({
      %run_scoped3A = tpu.sem_alloc : memref<!tpu.dma_semaphore, #tpu.memory_space<semaphore_mem>>
      tpu.enqueue_dma source(%arg6 : memref<10240xf32, #tpu.memory_space<hbm>>) target(%arg10 : memref<10240xf32, #tpu.memory_space<vmem>>) target_semaphore(%run_scoped3A : memref<!tpu.dma_semaphore, #tpu.memory_space<semaphore_mem>>)
      tpu.wait_dma2 semaphore(%run_scoped3A : memref<!tpu.dma_semaphore, #tpu.memory_space<semaphore_mem>>) src(%arg6 : memref<10240xf32, #tpu.memory_space<hbm>>) dst(%arg10 : memref<10240xf32, #tpu.memory_space<vmem>>)
      tpu.yield
    }) : () -> ()
    "tpu.region"() ({
      %run_scoped3A = tpu.sem_alloc : memref<!tpu.dma_semaphore, #tpu.memory_space<semaphore_mem>>
      tpu.enqueue_dma source(%arg5 : memref<128x128xf32, #tpu.memory_space<hbm>>) target(%arg15 : memref<128x128xf32, #tpu.memory_space<vmem>>) target_semaphore(%run_scoped3A : memref<!tpu.dma_semaphore, #tpu.memory_space<semaphore_mem>>)
      tpu.wait_dma2 semaphore(%run_scoped3A : memref<!tpu.dma_semaphore, #tpu.memory_space<semaphore_mem>>) src(%arg5 : memref<128x128xf32, #tpu.memory_space<hbm>>) dst(%arg15 : memref<128x128xf32, #tpu.memory_space<vmem>>)
      tpu.yield
    }) : () -> ()
    %add3A_4 = arith.constant 0 : i32
    %add3A_5 = arith.addi %mul3A_2, %add3A_4 : i32
    %multiple_of3A = tpu.assume_multiple %add3A_5, 128 : i32
    %dma_start3A = arith.constant 0 : i32
    %dma_start3A_6 = tpu.memref_slice %arg9[%multiple_of3A, %dma_start3A] : memref<10240x128xf32, #tpu.memory_space<vmem_shared>> -> memref<128x128xf32, #tpu.memory_space<vmem_shared>>
    %dma_start3A_7 = arith.constant 0 : i32
    %dma_start3A_8 = tpu.memref_slice %arg9[%multiple_of3A, %dma_start3A_7] : memref<10240x128xf32, #tpu.memory_space<vmem_shared>> -> memref<128x128xf32, #tpu.memory_space<vmem_shared>>
    tpu.enqueue_dma source(%arg15 : memref<128x128xf32, #tpu.memory_space<vmem>>) target(%dma_start3A_8 : memref<128x128xf32, #tpu.memory_space<vmem_shared>>) target_semaphore(%arg18 : memref<!tpu.dma_semaphore, #tpu.memory_space<semaphore_mem>>)
    %add3A_9 = arith.constant 128 : i32
    %add3A_10 = arith.addi %mul3A_2, %add3A_9 : i32
    %multiple_of3A_11 = tpu.assume_multiple %add3A_10, 128 : i32
    %dma_start3A_12 = arith.constant 0 : i32
    %dma_start3A_13 = tpu.memref_slice %arg9[%multiple_of3A_11, %dma_start3A_12] : memref<10240x128xf32, #tpu.memory_space<vmem_shared>> -> memref<128x128xf32, #tpu.memory_space<vmem_shared>>
    %dma_start3A_14 = arith.constant 0 : i32
    %dma_start3A_15 = tpu.memref_slice %arg9[%multiple_of3A_11, %dma_start3A_14] : memref<10240x128xf32, #tpu.memory_space<vmem_shared>> -> memref<128x128xf32, #tpu.memory_space<vmem_shared>>
    tpu.enqueue_dma source(%arg15 : memref<128x128xf32, #tpu.memory_space<vmem>>) target(%dma_start3A_15 : memref<128x128xf32, #tpu.memory_space<vmem_shared>>) target_semaphore(%arg18 : memref<!tpu.dma_semaphore, #tpu.memory_space<semaphore_mem>>)
    %add3A_16 = arith.constant 256 : i32
    %add3A_17 = arith.addi %mul3A_2, %add3A_16 : i32
    %multiple_of3A_18 = tpu.assume_multiple %add3A_17, 128 : i32
    %dma_start3A_19 = arith.constant 0 : i32
    %dma_start3A_20 = tpu.memref_slice %arg9[%multiple_of3A_18, %dma_start3A_19] : memref<10240x128xf32, #tpu.memory_space<vmem_shared>> -> memref<128x128xf32, #tpu.memory_space<vmem_shared>>
    %dma_start3A_21 = arith.constant 0 : i32
    %dma_start3A_22 = tpu.memref_slice %arg9[%multiple_of3A_18, %dma_start3A_21] : memref<10240x128xf32, #tpu.memory_space<vmem_shared>> -> memref<128x128xf32, #tpu.memory_space<vmem_shared>>
    tpu.enqueue_dma source(%arg15 : memref<128x128xf32, #tpu.memory_space<vmem>>) target(%dma_start3A_22 : memref<128x128xf32, #tpu.memory_space<vmem_shared>>) target_semaphore(%arg18 : memref<!tpu.dma_semaphore, #tpu.memory_space<semaphore_mem>>)
    %add3A_23 = arith.constant 384 : i32
    %add3A_24 = arith.addi %mul3A_2, %add3A_23 : i32
    %multiple_of3A_25 = tpu.assume_multiple %add3A_24, 128 : i32
    %dma_start3A_26 = arith.constant 0 : i32
    %dma_start3A_27 = tpu.memref_slice %arg9[%multiple_of3A_25, %dma_start3A_26] : memref<10240x128xf32, #tpu.memory_space<vmem_shared>> -> memref<128x128xf32, #tpu.memory_space<vmem_shared>>
    %dma_start3A_28 = arith.constant 0 : i32
    %dma_start3A_29 = tpu.memref_slice %arg9[%multiple_of3A_25, %dma_start3A_28] : memref<10240x128xf32, #tpu.memory_space<vmem_shared>> -> memref<128x128xf32, #tpu.memory_space<vmem_shared>>
    tpu.enqueue_dma source(%arg15 : memref<128x128xf32, #tpu.memory_space<vmem>>) target(%dma_start3A_29 : memref<128x128xf32, #tpu.memory_space<vmem_shared>>) target_semaphore(%arg18 : memref<!tpu.dma_semaphore, #tpu.memory_space<semaphore_mem>>)
    %add3A_30 = arith.constant 512 : i32
    %add3A_31 = arith.addi %mul3A_2, %add3A_30 : i32
    %multiple_of3A_32 = tpu.assume_multiple %add3A_31, 128 : i32
    %dma_start3A_33 = arith.constant 0 : i32
    %dma_start3A_34 = tpu.memref_slice %arg9[%multiple_of3A_32, %dma_start3A_33] : memref<10240x128xf32, #tpu.memory_space<vmem_shared>> -> memref<128x128xf32, #tpu.memory_space<vmem_shared>>
    %dma_start3A_35 = arith.constant 0 : i32
    %dma_start3A_36 = tpu.memref_slice %arg9[%multiple_of3A_32, %dma_start3A_35] : memref<10240x128xf32, #tpu.memory_space<vmem_shared>> -> memref<128x128xf32, #tpu.memory_space<vmem_shared>>
    tpu.enqueue_dma source(%arg15 : memref<128x128xf32, #tpu.memory_space<vmem>>) target(%dma_start3A_36 : memref<128x128xf32, #tpu.memory_space<vmem_shared>>) target_semaphore(%arg18 : memref<!tpu.dma_semaphore, #tpu.memory_space<semaphore_mem>>)
    %dma_wait3A = arith.constant 0 : i32
    %dma_wait3A_37 = tpu.memref_slice %arg9[%multiple_of3A, %dma_wait3A] : memref<10240x128xf32, #tpu.memory_space<vmem_shared>> -> memref<128x128xf32, #tpu.memory_space<vmem_shared>>
    %dma_wait3A_38 = arith.constant 0 : i32
    %dma_wait3A_39 = tpu.memref_slice %arg9[%multiple_of3A, %dma_wait3A_38] : memref<10240x128xf32, #tpu.memory_space<vmem_shared>> -> memref<128x128xf32, #tpu.memory_space<vmem_shared>>
    tpu.wait_dma2 semaphore(%arg18 : memref<!tpu.dma_semaphore, #tpu.memory_space<semaphore_mem>>) src(%arg15 : memref<128x128xf32, #tpu.memory_space<vmem>>) dst(%dma_wait3A_39 : memref<128x128xf32, #tpu.memory_space<vmem_shared>>)
    %dma_wait3A_40 = arith.constant 0 : i32
    %dma_wait3A_41 = tpu.memref_slice %arg9[%multiple_of3A_11, %dma_wait3A_40] : memref<10240x128xf32, #tpu.memory_space<vmem_shared>> -> memref<128x128xf32, #tpu.memory_space<vmem_shared>>
    %dma_wait3A_42 = arith.constant 0 : i32
    %dma_wait3A_43 = tpu.memref_slice %arg9[%multiple_of3A_11, %dma_wait3A_42] : memref<10240x128xf32, #tpu.memory_space<vmem_shared>> -> memref<128x128xf32, #tpu.memory_space<vmem_shared>>
    tpu.wait_dma2 semaphore(%arg18 : memref<!tpu.dma_semaphore, #tpu.memory_space<semaphore_mem>>) src(%arg15 : memref<128x128xf32, #tpu.memory_space<vmem>>) dst(%dma_wait3A_43 : memref<128x128xf32, #tpu.memory_space<vmem_shared>>)
    %dma_wait3A_44 = arith.constant 0 : i32
    %dma_wait3A_45 = tpu.memref_slice %arg9[%multiple_of3A_18, %dma_wait3A_44] : memref<10240x128xf32, #tpu.memory_space<vmem_shared>> -> memref<128x128xf32, #tpu.memory_space<vmem_shared>>
    %dma_wait3A_46 = arith.constant 0 : i32
    %dma_wait3A_47 = tpu.memref_slice %arg9[%multiple_of3A_18, %dma_wait3A_46] : memref<10240x128xf32, #tpu.memory_space<vmem_shared>> -> memref<128x128xf32, #tpu.memory_space<vmem_shared>>
    tpu.wait_dma2 semaphore(%arg18 : memref<!tpu.dma_semaphore, #tpu.memory_space<semaphore_mem>>) src(%arg15 : memref<128x128xf32, #tpu.memory_space<vmem>>) dst(%dma_wait3A_47 : memref<128x128xf32, #tpu.memory_space<vmem_shared>>)
    %dma_wait3A_48 = arith.constant 0 : i32
    %dma_wait3A_49 = tpu.memref_slice %arg9[%multiple_of3A_25, %dma_wait3A_48] : memref<10240x128xf32, #tpu.memory_space<vmem_shared>> -> memref<128x128xf32, #tpu.memory_space<vmem_shared>>
    %dma_wait3A_50 = arith.constant 0 : i32
    %dma_wait3A_51 = tpu.memref_slice %arg9[%multiple_of3A_25, %dma_wait3A_50] : memref<10240x128xf32, #tpu.memory_space<vmem_shared>> -> memref<128x128xf32, #tpu.memory_space<vmem_shared>>
    tpu.wait_dma2 semaphore(%arg18 : memref<!tpu.dma_semaphore, #tpu.memory_space<semaphore_mem>>) src(%arg15 : memref<128x128xf32, #tpu.memory_space<vmem>>) dst(%dma_wait3A_51 : memref<128x128xf32, #tpu.memory_space<vmem_shared>>)
    %dma_wait3A_52 = arith.constant 0 : i32
    %dma_wait3A_53 = tpu.memref_slice %arg9[%multiple_of3A_32, %dma_wait3A_52] : memref<10240x128xf32, #tpu.memory_space<vmem_shared>> -> memref<128x128xf32, #tpu.memory_space<vmem_shared>>
    %dma_wait3A_54 = arith.constant 0 : i32
    %dma_wait3A_55 = tpu.memref_slice %arg9[%multiple_of3A_32, %dma_wait3A_54] : memref<10240x128xf32, #tpu.memory_space<vmem_shared>> -> memref<128x128xf32, #tpu.memory_space<vmem_shared>>
    tpu.wait_dma2 semaphore(%arg18 : memref<!tpu.dma_semaphore, #tpu.memory_space<semaphore_mem>>) src(%arg15 : memref<128x128xf32, #tpu.memory_space<vmem>>) dst(%dma_wait3A_55 : memref<128x128xf32, #tpu.memory_space<vmem_shared>>)
    %barrier3A = arith.constant 0 : index
    tpu.barrier barrier_id(%barrier3A)
    %scan3A = arith.constant 0 : i32
    %scan3A_56 = arith.constant 40 : i32
    %scan3A_57 = arith.addi %scan3A, %scan3A_56 : i32
    %scan3A_58 = arith.constant 1 : i32
    scf.for %scan3A_200 = %scan3A to %scan3A_57 step %scan3A_58  : i32 {
      %mul3A_201 = arith.constant 2 : i32
      %mul3A_202 = arith.muli %scan3A_200, %mul3A_201 : i32
      %add3A_203 = arith.constant 0 : i32
      %add3A_204 = arith.addi %add3A_203, %mul3A_202 : i32
      %gt3A = arith.constant 0 : i32
      %gt3A_205 = arith.cmpi sgt, %add3A_204, %gt3A : i32
      %convert_element_type3A = arith.extui %gt3A_205 : i1 to i32
      %cond3A = arith.constant 0 : i32
      %cond3A_206 = arith.cmpi ne, %convert_element_type3A, %cond3A : i32
      scf.if %cond3A_206 {
        %dma_wait3A_311 = arith.constant 0 : i32
        %dma_wait3A_312 = arith.constant 0 : i32
        %dma_wait3A_313 = tpu.memref_slice %arg9[%dma_wait3A_311, %dma_wait3A_312] : memref<10240x128xf32, #tpu.memory_space<vmem_shared>> -> memref<10240x128xf32, #tpu.memory_space<vmem_shared>>
        tpu.wait_indirect_dma semaphore(%arg20 : memref<!tpu.dma_semaphore, #tpu.memory_space<semaphore_mem>>) src(%arg15 : memref<128x128xf32, #tpu.memory_space<vmem>>) dst(%dma_wait3A_313 : memref<10240x128xf32, #tpu.memory_space<vmem_shared>>)
        %dma_wait3A_314 = arith.constant 0 : i32
        %dma_wait3A_315 = arith.constant 0 : i32
        %dma_wait3A_316 = tpu.memref_slice %arg9[%dma_wait3A_314, %dma_wait3A_315] : memref<10240x128xf32, #tpu.memory_space<vmem_shared>> -> memref<10240x128xf32, #tpu.memory_space<vmem_shared>>
        tpu.wait_indirect_dma semaphore(%arg21 : memref<!tpu.dma_semaphore, #tpu.memory_space<semaphore_mem>>) src(%arg16 : memref<128x128xf32, #tpu.memory_space<vmem>>) dst(%dma_wait3A_316 : memref<10240x128xf32, #tpu.memory_space<vmem_shared>>)
      } else {
      }
      %mul3A_207 = arith.constant 80 : i32
      %mul3A_208 = arith.muli %add3A, %mul3A_207 : i32
      %add3A_209 = arith.addi %mul3A_208, %add3A_204 : i32
      %dma_start3A_210 = arith.constant 0 : i32
      %dma_start3A_211 = tpu.memref_slice %arg3[%add3A_209, %dma_start3A_210] : memref<2560x128xi32, #tpu.memory_space<hbm>> -> memref<1x128xi32, #tpu.memory_space<hbm>>
      %dma_start3A_212 = tpu.memref_squeeze %dma_start3A_211 : memref<1x128xi32, #tpu.memory_space<hbm>> -> memref<128xi32, #tpu.memory_space<hbm>>
      %dma_start3A_213 = arith.constant 0 : i32
      %dma_start3A_214 = tpu.memref_slice %arg3[%add3A_209, %dma_start3A_213] : memref<2560x128xi32, #tpu.memory_space<hbm>> -> memref<1x128xi32, #tpu.memory_space<hbm>>
      %dma_start3A_215 = tpu.memref_squeeze %dma_start3A_214 : memref<1x128xi32, #tpu.memory_space<hbm>> -> memref<128xi32, #tpu.memory_space<hbm>>
      tpu.enqueue_dma source(%dma_start3A_215 : memref<128xi32, #tpu.memory_space<hbm>>) target(%arg11 : memref<128xi32, #tpu.memory_space<vmem>>) target_semaphore(%arg17 : memref<!tpu.dma_semaphore, #tpu.memory_space<semaphore_mem>>)
      %add3A_216 = arith.constant 1 : i32
      %add3A_217 = arith.addi %add3A_209, %add3A_216 : i32
      %dma_start3A_218 = arith.constant 0 : i32
      %dma_start3A_219 = tpu.memref_slice %arg3[%add3A_217, %dma_start3A_218] : memref<2560x128xi32, #tpu.memory_space<hbm>> -> memref<1x128xi32, #tpu.memory_space<hbm>>
      %dma_start3A_220 = tpu.memref_squeeze %dma_start3A_219 : memref<1x128xi32, #tpu.memory_space<hbm>> -> memref<128xi32, #tpu.memory_space<hbm>>
      %dma_start3A_221 = arith.constant 0 : i32
      %dma_start3A_222 = tpu.memref_slice %arg3[%add3A_217, %dma_start3A_221] : memref<2560x128xi32, #tpu.memory_space<hbm>> -> memref<1x128xi32, #tpu.memory_space<hbm>>
      %dma_start3A_223 = tpu.memref_squeeze %dma_start3A_222 : memref<1x128xi32, #tpu.memory_space<hbm>> -> memref<128xi32, #tpu.memory_space<hbm>>
      tpu.enqueue_dma source(%dma_start3A_223 : memref<128xi32, #tpu.memory_space<hbm>>) target(%arg12 : memref<128xi32, #tpu.memory_space<vmem>>) target_semaphore(%arg17 : memref<!tpu.dma_semaphore, #tpu.memory_space<semaphore_mem>>)
      %dma_start3A_224 = arith.constant 0 : i32
      %dma_start3A_225 = tpu.memref_slice %arg4[%add3A_209, %dma_start3A_224] : memref<2560x128xi32, #tpu.memory_space<hbm>> -> memref<1x128xi32, #tpu.memory_space<hbm>>
      %dma_start3A_226 = tpu.memref_squeeze %dma_start3A_225 : memref<1x128xi32, #tpu.memory_space<hbm>> -> memref<128xi32, #tpu.memory_space<hbm>>
      %dma_start3A_227 = arith.constant 0 : i32
      %dma_start3A_228 = tpu.memref_slice %arg4[%add3A_209, %dma_start3A_227] : memref<2560x128xi32, #tpu.memory_space<hbm>> -> memref<1x128xi32, #tpu.memory_space<hbm>>
      %dma_start3A_229 = tpu.memref_squeeze %dma_start3A_228 : memref<1x128xi32, #tpu.memory_space<hbm>> -> memref<128xi32, #tpu.memory_space<hbm>>
      tpu.enqueue_dma source(%dma_start3A_229 : memref<128xi32, #tpu.memory_space<hbm>>) target(%arg13 : memref<128xi32, #tpu.memory_space<vmem>>) target_semaphore(%arg17 : memref<!tpu.dma_semaphore, #tpu.memory_space<semaphore_mem>>)
      %add3A_230 = arith.constant 1 : i32
      %add3A_231 = arith.addi %add3A_209, %add3A_230 : i32
      %dma_start3A_232 = arith.constant 0 : i32
      %dma_start3A_233 = tpu.memref_slice %arg4[%add3A_231, %dma_start3A_232] : memref<2560x128xi32, #tpu.memory_space<hbm>> -> memref<1x128xi32, #tpu.memory_space<hbm>>
      %dma_start3A_234 = tpu.memref_squeeze %dma_start3A_233 : memref<1x128xi32, #tpu.memory_space<hbm>> -> memref<128xi32, #tpu.memory_space<hbm>>
      %dma_start3A_235 = arith.constant 0 : i32
      %dma_start3A_236 = tpu.memref_slice %arg4[%add3A_231, %dma_start3A_235] : memref<2560x128xi32, #tpu.memory_space<hbm>> -> memref<1x128xi32, #tpu.memory_space<hbm>>
      %dma_start3A_237 = tpu.memref_squeeze %dma_start3A_236 : memref<1x128xi32, #tpu.memory_space<hbm>> -> memref<128xi32, #tpu.memory_space<hbm>>
      tpu.enqueue_dma source(%dma_start3A_237 : memref<128xi32, #tpu.memory_space<hbm>>) target(%arg14 : memref<128xi32, #tpu.memory_space<vmem>>) target_semaphore(%arg17 : memref<!tpu.dma_semaphore, #tpu.memory_space<semaphore_mem>>)
      %dma_wait3A_238 = arith.constant 0 : i32
      %dma_wait3A_239 = tpu.memref_slice %arg3[%add3A_209, %dma_wait3A_238] : memref<2560x128xi32, #tpu.memory_space<hbm>> -> memref<1x128xi32, #tpu.memory_space<hbm>>
      %dma_wait3A_240 = tpu.memref_squeeze %dma_wait3A_239 : memref<1x128xi32, #tpu.memory_space<hbm>> -> memref<128xi32, #tpu.memory_space<hbm>>
      %dma_wait3A_241 = arith.constant 0 : i32
      %dma_wait3A_242 = tpu.memref_slice %arg3[%add3A_209, %dma_wait3A_241] : memref<2560x128xi32, #tpu.memory_space<hbm>> -> memref<1x128xi32, #tpu.memory_space<hbm>>
      %dma_wait3A_243 = tpu.memref_squeeze %dma_wait3A_242 : memref<1x128xi32, #tpu.memory_space<hbm>> -> memref<128xi32, #tpu.memory_space<hbm>>
      tpu.wait_dma2 semaphore(%arg17 : memref<!tpu.dma_semaphore, #tpu.memory_space<semaphore_mem>>) src(%dma_wait3A_243 : memref<128xi32, #tpu.memory_space<hbm>>) dst(%arg11 : memref<128xi32, #tpu.memory_space<vmem>>)
      %dma_wait3A_244 = arith.constant 0 : i32
      %dma_wait3A_245 = tpu.memref_slice %arg3[%add3A_217, %dma_wait3A_244] : memref<2560x128xi32, #tpu.memory_space<hbm>> -> memref<1x128xi32, #tpu.memory_space<hbm>>
      %dma_wait3A_246 = tpu.memref_squeeze %dma_wait3A_245 : memref<1x128xi32, #tpu.memory_space<hbm>> -> memref<128xi32, #tpu.memory_space<hbm>>
      %dma_wait3A_247 = arith.constant 0 : i32
      %dma_wait3A_248 = tpu.memref_slice %arg3[%add3A_217, %dma_wait3A_247] : memref<2560x128xi32, #tpu.memory_space<hbm>> -> memref<1x128xi32, #tpu.memory_space<hbm>>
      %dma_wait3A_249 = tpu.memref_squeeze %dma_wait3A_248 : memref<1x128xi32, #tpu.memory_space<hbm>> -> memref<128xi32, #tpu.memory_space<hbm>>
      tpu.wait_dma2 semaphore(%arg17 : memref<!tpu.dma_semaphore, #tpu.memory_space<semaphore_mem>>) src(%dma_wait3A_249 : memref<128xi32, #tpu.memory_space<hbm>>) dst(%arg12 : memref<128xi32, #tpu.memory_space<vmem>>)
      %dma_wait3A_250 = arith.constant 0 : i32
      %dma_wait3A_251 = tpu.memref_slice %arg4[%add3A_209, %dma_wait3A_250] : memref<2560x128xi32, #tpu.memory_space<hbm>> -> memref<1x128xi32, #tpu.memory_space<hbm>>
      %dma_wait3A_252 = tpu.memref_squeeze %dma_wait3A_251 : memref<1x128xi32, #tpu.memory_space<hbm>> -> memref<128xi32, #tpu.memory_space<hbm>>
      %dma_wait3A_253 = arith.constant 0 : i32
      %dma_wait3A_254 = tpu.memref_slice %arg4[%add3A_209, %dma_wait3A_253] : memref<2560x128xi32, #tpu.memory_space<hbm>> -> memref<1x128xi32, #tpu.memory_space<hbm>>
      %dma_wait3A_255 = tpu.memref_squeeze %dma_wait3A_254 : memref<1x128xi32, #tpu.memory_space<hbm>> -> memref<128xi32, #tpu.memory_space<hbm>>
      tpu.wait_dma2 semaphore(%arg17 : memref<!tpu.dma_semaphore, #tpu.memory_space<semaphore_mem>>) src(%dma_wait3A_255 : memref<128xi32, #tpu.memory_space<hbm>>) dst(%arg13 : memref<128xi32, #tpu.memory_space<vmem>>)
      %dma_wait3A_256 = arith.constant 0 : i32
      %dma_wait3A_257 = tpu.memref_slice %arg4[%add3A_231, %dma_wait3A_256] : memref<2560x128xi32, #tpu.memory_space<hbm>> -> memref<1x128xi32, #tpu.memory_space<hbm>>
      %dma_wait3A_258 = tpu.memref_squeeze %dma_wait3A_257 : memref<1x128xi32, #tpu.memory_space<hbm>> -> memref<128xi32, #tpu.memory_space<hbm>>
      %dma_wait3A_259 = arith.constant 0 : i32
      %dma_wait3A_260 = tpu.memref_slice %arg4[%add3A_231, %dma_wait3A_259] : memref<2560x128xi32, #tpu.memory_space<hbm>> -> memref<1x128xi32, #tpu.memory_space<hbm>>
      %dma_wait3A_261 = tpu.memref_squeeze %dma_wait3A_260 : memref<1x128xi32, #tpu.memory_space<hbm>> -> memref<128xi32, #tpu.memory_space<hbm>>
      tpu.wait_dma2 semaphore(%arg17 : memref<!tpu.dma_semaphore, #tpu.memory_space<semaphore_mem>>) src(%dma_wait3A_261 : memref<128xi32, #tpu.memory_space<hbm>>) dst(%arg14 : memref<128xi32, #tpu.memory_space<vmem>>)
      %dma_start3A_262 = arith.constant 0 : i32
      %dma_start3A_263 = arith.constant 0 : i32
      %dma_start3A_264 = tpu.memref_slice %arg2[%dma_start3A_262, %dma_start3A_263] : memref<10000x128xf32, #tpu.memory_space<hbm>> -> memref<10000x128xf32, #tpu.memory_space<hbm>>
      tpu.enqueue_indirect_dma source(%dma_start3A_264 : memref<10000x128xf32, #tpu.memory_space<hbm>>) target(%arg15 : memref<128x128xf32, #tpu.memory_space<vmem>>) offsets(%arg11 : memref<128xi32, #tpu.memory_space<vmem>>) semaphore(%arg18 : memref<!tpu.dma_semaphore, #tpu.memory_space<semaphore_mem>>)
      %dma_start3A_265 = arith.constant 0 : i32
      %dma_start3A_266 = arith.constant 0 : i32
      %dma_start3A_267 = tpu.memref_slice %arg2[%dma_start3A_265, %dma_start3A_266] : memref<10000x128xf32, #tpu.memory_space<hbm>> -> memref<10000x128xf32, #tpu.memory_space<hbm>>
      tpu.enqueue_indirect_dma source(%dma_start3A_267 : memref<10000x128xf32, #tpu.memory_space<hbm>>) target(%arg16 : memref<128x128xf32, #tpu.memory_space<vmem>>) offsets(%arg12 : memref<128xi32, #tpu.memory_space<vmem>>) semaphore(%arg19 : memref<!tpu.dma_semaphore, #tpu.memory_space<semaphore_mem>>)
      %get3A = arith.constant 0 : index
      %get3A_268 = tpu.vector_load %arg13[%get3A] {strides = array<i32>} : memref<128xi32, #tpu.memory_space<vmem>>, vector<16xi32>,
      tpu.vector_store_idx %arg10[%get3A_268], %broadcast_in_dim3A_3 {add = true} : memref<10240xf32, #tpu.memory_space<vmem>>[vector<16xi32>], vector<16xf32>,
      %get3A_269 = arith.constant 0 : index
      %get3A_270 = tpu.vector_load %arg14[%get3A_269] {strides = array<i32>} : memref<128xi32, #tpu.memory_space<vmem>>, vector<16xi32>,
      tpu.vector_store_idx %arg10[%get3A_270], %broadcast_in_dim3A_3 {add = true} : memref<10240xf32, #tpu.memory_space<vmem>>[vector<16xi32>], vector<16xf32>,
      %get3A_271 = arith.constant 16 : index
      %get3A_272 = tpu.vector_load %arg13[%get3A_271] {strides = array<i32>} : memref<128xi32, #tpu.memory_space<vmem>>, vector<16xi32>,
      tpu.vector_store_idx %arg10[%get3A_272], %broadcast_in_dim3A_3 {add = true} : memref<10240xf32, #tpu.memory_space<vmem>>[vector<16xi32>], vector<16xf32>,
      %get3A_273 = arith.constant 16 : index
      %get3A_274 = tpu.vector_load %arg14[%get3A_273] {strides = array<i32>} : memref<128xi32, #tpu.memory_space<vmem>>, vector<16xi32>,
      tpu.vector_store_idx %arg10[%get3A_274], %broadcast_in_dim3A_3 {add = true} : memref<10240xf32, #tpu.memory_space<vmem>>[vector<16xi32>], vector<16xf32>,
      %get3A_275 = arith.constant 32 : index
      %get3A_276 = tpu.vector_load %arg13[%get3A_275] {strides = array<i32>} : memref<128xi32, #tpu.memory_space<vmem>>, vector<16xi32>,
      tpu.vector_store_idx %arg10[%get3A_276], %broadcast_in_dim3A_3 {add = true} : memref<10240xf32, #tpu.memory_space<vmem>>[vector<16xi32>], vector<16xf32>,
      %get3A_277 = arith.constant 32 : index
      %get3A_278 = tpu.vector_load %arg14[%get3A_277] {strides = array<i32>} : memref<128xi32, #tpu.memory_space<vmem>>, vector<16xi32>,
      tpu.vector_store_idx %arg10[%get3A_278], %broadcast_in_dim3A_3 {add = true} : memref<10240xf32, #tpu.memory_space<vmem>>[vector<16xi32>], vector<16xf32>,
      %get3A_279 = arith.constant 48 : index
      %get3A_280 = tpu.vector_load %arg13[%get3A_279] {strides = array<i32>} : memref<128xi32, #tpu.memory_space<vmem>>, vector<16xi32>,
      tpu.vector_store_idx %arg10[%get3A_280], %broadcast_in_dim3A_3 {add = true} : memref<10240xf32, #tpu.memory_space<vmem>>[vector<16xi32>], vector<16xf32>,
      %get3A_281 = arith.constant 48 : index
      %get3A_282 = tpu.vector_load %arg14[%get3A_281] {strides = array<i32>} : memref<128xi32, #tpu.memory_space<vmem>>, vector<16xi32>,
      tpu.vector_store_idx %arg10[%get3A_282], %broadcast_in_dim3A_3 {add = true} : memref<10240xf32, #tpu.memory_space<vmem>>[vector<16xi32>], vector<16xf32>,
      %get3A_283 = arith.constant 64 : index
      %get3A_284 = tpu.vector_load %arg13[%get3A_283] {strides = array<i32>} : memref<128xi32, #tpu.memory_space<vmem>>, vector<16xi32>,
      tpu.vector_store_idx %arg10[%get3A_284], %broadcast_in_dim3A_3 {add = true} : memref<10240xf32, #tpu.memory_space<vmem>>[vector<16xi32>], vector<16xf32>,
      %get3A_285 = arith.constant 64 : index
      %get3A_286 = tpu.vector_load %arg14[%get3A_285] {strides = array<i32>} : memref<128xi32, #tpu.memory_space<vmem>>, vector<16xi32>,
      tpu.vector_store_idx %arg10[%get3A_286], %broadcast_in_dim3A_3 {add = true} : memref<10240xf32, #tpu.memory_space<vmem>>[vector<16xi32>], vector<16xf32>,
      %get3A_287 = arith.constant 80 : index
      %get3A_288 = tpu.vector_load %arg13[%get3A_287] {strides = array<i32>} : memref<128xi32, #tpu.memory_space<vmem>>, vector<16xi32>,
      tpu.vector_store_idx %arg10[%get3A_288], %broadcast_in_dim3A_3 {add = true} : memref<10240xf32, #tpu.memory_space<vmem>>[vector<16xi32>], vector<16xf32>,
      %get3A_289 = arith.constant 80 : index
      %get3A_290 = tpu.vector_load %arg14[%get3A_289] {strides = array<i32>} : memref<128xi32, #tpu.memory_space<vmem>>, vector<16xi32>,
      tpu.vector_store_idx %arg10[%get3A_290], %broadcast_in_dim3A_3 {add = true} : memref<10240xf32, #tpu.memory_space<vmem>>[vector<16xi32>], vector<16xf32>,
      %get3A_291 = arith.constant 96 : index
      %get3A_292 = tpu.vector_load %arg13[%get3A_291] {strides = array<i32>} : memref<128xi32, #tpu.memory_space<vmem>>, vector<16xi32>,
      tpu.vector_store_idx %arg10[%get3A_292], %broadcast_in_dim3A_3 {add = true} : memref<10240xf32, #tpu.memory_space<vmem>>[vector<16xi32>], vector<16xf32>,
      %get3A_293 = arith.constant 96 : index
      %get3A_294 = tpu.vector_load %arg14[%get3A_293] {strides = array<i32>} : memref<128xi32, #tpu.memory_space<vmem>>, vector<16xi32>,
      tpu.vector_store_idx %arg10[%get3A_294], %broadcast_in_dim3A_3 {add = true} : memref<10240xf32, #tpu.memory_space<vmem>>[vector<16xi32>], vector<16xf32>,
      %get3A_295 = arith.constant 112 : index
      %get3A_296 = tpu.vector_load %arg13[%get3A_295] {strides = array<i32>} : memref<128xi32, #tpu.memory_space<vmem>>, vector<16xi32>,
      tpu.vector_store_idx %arg10[%get3A_296], %broadcast_in_dim3A_3 {add = true} : memref<10240xf32, #tpu.memory_space<vmem>>[vector<16xi32>], vector<16xf32>,
      %get3A_297 = arith.constant 112 : index
      %get3A_298 = tpu.vector_load %arg14[%get3A_297] {strides = array<i32>} : memref<128xi32, #tpu.memory_space<vmem>>, vector<16xi32>,
      tpu.vector_store_idx %arg10[%get3A_298], %broadcast_in_dim3A_3 {add = true} : memref<10240xf32, #tpu.memory_space<vmem>>[vector<16xi32>], vector<16xf32>,
      %dma_wait3A_299 = arith.constant 0 : i32
      %dma_wait3A_300 = arith.constant 0 : i32
      %dma_wait3A_301 = tpu.memref_slice %arg2[%dma_wait3A_299, %dma_wait3A_300] : memref<10000x128xf32, #tpu.memory_space<hbm>> -> memref<10000x128xf32, #tpu.memory_space<hbm>>
      tpu.wait_indirect_dma semaphore(%arg18 : memref<!tpu.dma_semaphore, #tpu.memory_space<semaphore_mem>>) src(%dma_wait3A_301 : memref<10000x128xf32, #tpu.memory_space<hbm>>) dst(%arg15 : memref<128x128xf32, #tpu.memory_space<vmem>>)
      %dma_start3A_302 = arith.constant 0 : i32
      %dma_start3A_303 = arith.constant 0 : i32
      %dma_start3A_304 = tpu.memref_slice %arg9[%dma_start3A_302, %dma_start3A_303] : memref<10240x128xf32, #tpu.memory_space<vmem_shared>> -> memref<10240x128xf32, #tpu.memory_space<vmem_shared>>
      tpu.enqueue_indirect_dma source(%arg15 : memref<128x128xf32, #tpu.memory_space<vmem>>) target(%dma_start3A_304 : memref<10240x128xf32, #tpu.memory_space<vmem_shared>>) offsets(%arg13 : memref<128xi32, #tpu.memory_space<vmem>>) semaphore(%arg20 : memref<!tpu.dma_semaphore, #tpu.memory_space<semaphore_mem>>) {add = true}
      %dma_wait3A_305 = arith.constant 0 : i32
      %dma_wait3A_306 = arith.constant 0 : i32
      %dma_wait3A_307 = tpu.memref_slice %arg2[%dma_wait3A_305, %dma_wait3A_306] : memref<10000x128xf32, #tpu.memory_space<hbm>> -> memref<10000x128xf32, #tpu.memory_space<hbm>>
      tpu.wait_indirect_dma semaphore(%arg19 : memref<!tpu.dma_semaphore, #tpu.memory_space<semaphore_mem>>) src(%dma_wait3A_307 : memref<10000x128xf32, #tpu.memory_space<hbm>>) dst(%arg16 : memref<128x128xf32, #tpu.memory_space<vmem>>)
      %dma_start3A_308 = arith.constant 0 : i32
      %dma_start3A_309 = arith.constant 0 : i32
      %dma_start3A_310 = tpu.memref_slice %arg9[%dma_start3A_308, %dma_start3A_309] : memref<10240x128xf32, #tpu.memory_space<vmem_shared>> -> memref<10240x128xf32, #tpu.memory_space<vmem_shared>>
      tpu.enqueue_indirect_dma source(%arg16 : memref<128x128xf32, #tpu.memory_space<vmem>>) target(%dma_start3A_310 : memref<10240x128xf32, #tpu.memory_space<vmem_shared>>) offsets(%arg14 : memref<128xi32, #tpu.memory_space<vmem>>) semaphore(%arg21 : memref<!tpu.dma_semaphore, #tpu.memory_space<semaphore_mem>>) {add = true}
    }
    %scan3A_59 = arith.constant 40 : i32
    %dma_wait3A_60 = arith.constant 0 : i32
    %dma_wait3A_61 = arith.constant 0 : i32
    %dma_wait3A_62 = tpu.memref_slice %arg9[%dma_wait3A_60, %dma_wait3A_61] : memref<10240x128xf32, #tpu.memory_space<vmem_shared>> -> memref<10240x128xf32, #tpu.memory_space<vmem_shared>>
    tpu.wait_indirect_dma semaphore(%arg20 : memref<!tpu.dma_semaphore, #tpu.memory_space<semaphore_mem>>) src(%arg15 : memref<128x128xf32, #tpu.memory_space<vmem>>) dst(%dma_wait3A_62 : memref<10240x128xf32, #tpu.memory_space<vmem_shared>>)
    %dma_wait3A_63 = arith.constant 0 : i32
    %dma_wait3A_64 = arith.constant 0 : i32
    %dma_wait3A_65 = tpu.memref_slice %arg9[%dma_wait3A_63, %dma_wait3A_64] : memref<10240x128xf32, #tpu.memory_space<vmem_shared>> -> memref<10240x128xf32, #tpu.memory_space<vmem_shared>>
    tpu.wait_indirect_dma semaphore(%arg21 : memref<!tpu.dma_semaphore, #tpu.memory_space<semaphore_mem>>) src(%arg16 : memref<128x128xf32, #tpu.memory_space<vmem>>) dst(%dma_wait3A_65 : memref<10240x128xf32, #tpu.memory_space<vmem_shared>>)
    %barrier3A_66 = arith.constant 0 : index
    tpu.barrier barrier_id(%barrier3A_66)
    %dma_start3A_67 = arith.constant 0 : i32
    %dma_start3A_68 = tpu.memref_slice %arg8[%add3A, %dma_start3A_67] : memref<32x10240xf32, #tpu.memory_space<hbm>> -> memref<1x10240xf32, #tpu.memory_space<hbm>>
    %dma_start3A_69 = tpu.memref_squeeze %dma_start3A_68 : memref<1x10240xf32, #tpu.memory_space<hbm>> -> memref<10240xf32, #tpu.memory_space<hbm>>
    %dma_start3A_70 = arith.constant 0 : i32
    %dma_start3A_71 = tpu.memref_slice %arg8[%add3A, %dma_start3A_70] : memref<32x10240xf32, #tpu.memory_space<hbm>> -> memref<1x10240xf32, #tpu.memory_space<hbm>>
    %dma_start3A_72 = tpu.memref_squeeze %dma_start3A_71 : memref<1x10240xf32, #tpu.memory_space<hbm>> -> memref<10240xf32, #tpu.memory_space<hbm>>
    tpu.enqueue_dma source(%arg10 : memref<10240xf32, #tpu.memory_space<vmem>>) target(%dma_start3A_72 : memref<10240xf32, #tpu.memory_space<hbm>>) target_semaphore(%arg17 : memref<!tpu.dma_semaphore, #tpu.memory_space<semaphore_mem>>)
    %add3A_73 = arith.constant 0 : i32
    %add3A_74 = arith.addi %mul3A_2, %add3A_73 : i32
    %multiple_of3A_75 = tpu.assume_multiple %add3A_74, 128 : i32
    %dma_start3A_76 = arith.constant 0 : i32
    %dma_start3A_77 = tpu.memref_slice %arg9[%multiple_of3A_75, %dma_start3A_76] : memref<10240x128xf32, #tpu.memory_space<vmem_shared>> -> memref<128x128xf32, #tpu.memory_space<vmem_shared>>
    %dma_start3A_78 = arith.constant 0 : i32
    %dma_start3A_79 = tpu.memref_slice %arg9[%multiple_of3A_75, %dma_start3A_78] : memref<10240x128xf32, #tpu.memory_space<vmem_shared>> -> memref<128x128xf32, #tpu.memory_space<vmem_shared>>
    tpu.enqueue_dma source(%dma_start3A_79 : memref<128x128xf32, #tpu.memory_space<vmem_shared>>) target(%arg15 : memref<128x128xf32, #tpu.memory_space<vmem>>) target_semaphore(%arg18 : memref<!tpu.dma_semaphore, #tpu.memory_space<semaphore_mem>>)
    %dma_wait3A_80 = arith.constant 0 : i32
    %dma_wait3A_81 = tpu.memref_slice %arg9[%multiple_of3A_75, %dma_wait3A_80] : memref<10240x128xf32, #tpu.memory_space<vmem_shared>> -> memref<128x128xf32, #tpu.memory_space<vmem_shared>>
    %dma_wait3A_82 = arith.constant 0 : i32
    %dma_wait3A_83 = tpu.memref_slice %arg9[%multiple_of3A_75, %dma_wait3A_82] : memref<10240x128xf32, #tpu.memory_space<vmem_shared>> -> memref<128x128xf32, #tpu.memory_space<vmem_shared>>
    tpu.wait_dma2 semaphore(%arg18 : memref<!tpu.dma_semaphore, #tpu.memory_space<semaphore_mem>>) src(%dma_wait3A_83 : memref<128x128xf32, #tpu.memory_space<vmem_shared>>) dst(%arg15 : memref<128x128xf32, #tpu.memory_space<vmem>>)
    %dma_start3A_84 = arith.constant 0 : i32
    %dma_start3A_85 = tpu.memref_slice %arg7[%arg0, %multiple_of3A_75, %dma_start3A_84] : memref<2x10240x128xf32, #tpu.memory_space<hbm>> -> memref<1x128x128xf32, #tpu.memory_space<hbm>>
    %dma_start3A_86 = tpu.memref_squeeze %dma_start3A_85 : memref<1x128x128xf32, #tpu.memory_space<hbm>> -> memref<128x128xf32, #tpu.memory_space<hbm>>
    %dma_start3A_87 = arith.constant 0 : i32
    %dma_start3A_88 = tpu.memref_slice %arg7[%arg0, %multiple_of3A_75, %dma_start3A_87] : memref<2x10240x128xf32, #tpu.memory_space<hbm>> -> memref<1x128x128xf32, #tpu.memory_space<hbm>>
    %dma_start3A_89 = tpu.memref_squeeze %dma_start3A_88 : memref<1x128x128xf32, #tpu.memory_space<hbm>> -> memref<128x128xf32, #tpu.memory_space<hbm>>
    tpu.enqueue_dma source(%arg15 : memref<128x128xf32, #tpu.memory_space<vmem>>) target(%dma_start3A_89 : memref<128x128xf32, #tpu.memory_space<hbm>>) target_semaphore(%arg20 : memref<!tpu.dma_semaphore, #tpu.memory_space<semaphore_mem>>)
    %add3A_90 = arith.constant 128 : i32
    %add3A_91 = arith.addi %mul3A_2, %add3A_90 : i32
    %multiple_of3A_92 = tpu.assume_multiple %add3A_91, 128 : i32
    %dma_start3A_93 = arith.constant 0 : i32
    %dma_start3A_94 = tpu.memref_slice %arg9[%multiple_of3A_92, %dma_start3A_93] : memref<10240x128xf32, #tpu.memory_space<vmem_shared>> -> memref<128x128xf32, #tpu.memory_space<vmem_shared>>
    %dma_start3A_95 = arith.constant 0 : i32
    %dma_start3A_96 = tpu.memref_slice %arg9[%multiple_of3A_92, %dma_start3A_95] : memref<10240x128xf32, #tpu.memory_space<vmem_shared>> -> memref<128x128xf32, #tpu.memory_space<vmem_shared>>
    tpu.enqueue_dma source(%dma_start3A_96 : memref<128x128xf32, #tpu.memory_space<vmem_shared>>) target(%arg16 : memref<128x128xf32, #tpu.memory_space<vmem>>) target_semaphore(%arg19 : memref<!tpu.dma_semaphore, #tpu.memory_space<semaphore_mem>>)
    %dma_wait3A_97 = arith.constant 0 : i32
    %dma_wait3A_98 = tpu.memref_slice %arg9[%multiple_of3A_92, %dma_wait3A_97] : memref<10240x128xf32, #tpu.memory_space<vmem_shared>> -> memref<128x128xf32, #tpu.memory_space<vmem_shared>>
    %dma_wait3A_99 = arith.constant 0 : i32
    %dma_wait3A_100 = tpu.memref_slice %arg9[%multiple_of3A_92, %dma_wait3A_99] : memref<10240x128xf32, #tpu.memory_space<vmem_shared>> -> memref<128x128xf32, #tpu.memory_space<vmem_shared>>
    tpu.wait_dma2 semaphore(%arg19 : memref<!tpu.dma_semaphore, #tpu.memory_space<semaphore_mem>>) src(%dma_wait3A_100 : memref<128x128xf32, #tpu.memory_space<vmem_shared>>) dst(%arg16 : memref<128x128xf32, #tpu.memory_space<vmem>>)
    %dma_start3A_101 = arith.constant 0 : i32
    %dma_start3A_102 = tpu.memref_slice %arg7[%arg0, %multiple_of3A_92, %dma_start3A_101] : memref<2x10240x128xf32, #tpu.memory_space<hbm>> -> memref<1x128x128xf32, #tpu.memory_space<hbm>>
    %dma_start3A_103 = tpu.memref_squeeze %dma_start3A_102 : memref<1x128x128xf32, #tpu.memory_space<hbm>> -> memref<128x128xf32, #tpu.memory_space<hbm>>
    %dma_start3A_104 = arith.constant 0 : i32
    %dma_start3A_105 = tpu.memref_slice %arg7[%arg0, %multiple_of3A_92, %dma_start3A_104] : memref<2x10240x128xf32, #tpu.memory_space<hbm>> -> memref<1x128x128xf32, #tpu.memory_space<hbm>>
    %dma_start3A_106 = tpu.memref_squeeze %dma_start3A_105 : memref<1x128x128xf32, #tpu.memory_space<hbm>> -> memref<128x128xf32, #tpu.memory_space<hbm>>
    tpu.enqueue_dma source(%arg16 : memref<128x128xf32, #tpu.memory_space<vmem>>) target(%dma_start3A_106 : memref<128x128xf32, #tpu.memory_space<hbm>>) target_semaphore(%arg21 : memref<!tpu.dma_semaphore, #tpu.memory_space<semaphore_mem>>)
    %add3A_107 = arith.constant 256 : i32
    %add3A_108 = arith.addi %mul3A_2, %add3A_107 : i32
    %multiple_of3A_109 = tpu.assume_multiple %add3A_108, 128 : i32
    %dma_wait3A_110 = arith.constant 0 : i32
    %dma_wait3A_111 = tpu.memref_slice %arg7[%arg0, %multiple_of3A_109, %dma_wait3A_110] : memref<2x10240x128xf32, #tpu.memory_space<hbm>> -> memref<1x128x128xf32, #tpu.memory_space<hbm>>
    %dma_wait3A_112 = tpu.memref_squeeze %dma_wait3A_111 : memref<1x128x128xf32, #tpu.memory_space<hbm>> -> memref<128x128xf32, #tpu.memory_space<hbm>>
    %dma_wait3A_113 = arith.constant 0 : i32
    %dma_wait3A_114 = tpu.memref_slice %arg7[%arg0, %multiple_of3A_109, %dma_wait3A_113] : memref<2x10240x128xf32, #tpu.memory_space<hbm>> -> memref<1x128x128xf32, #tpu.memory_space<hbm>>
    %dma_wait3A_115 = tpu.memref_squeeze %dma_wait3A_114 : memref<1x128x128xf32, #tpu.memory_space<hbm>> -> memref<128x128xf32, #tpu.memory_space<hbm>>
    tpu.wait_dma2 semaphore(%arg20 : memref<!tpu.dma_semaphore, #tpu.memory_space<semaphore_mem>>) src(%arg15 : memref<128x128xf32, #tpu.memory_space<vmem>>) dst(%dma_wait3A_115 : memref<128x128xf32, #tpu.memory_space<hbm>>)
    %dma_start3A_116 = arith.constant 0 : i32
    %dma_start3A_117 = tpu.memref_slice %arg9[%multiple_of3A_109, %dma_start3A_116] : memref<10240x128xf32, #tpu.memory_space<vmem_shared>> -> memref<128x128xf32, #tpu.memory_space<vmem_shared>>
    %dma_start3A_118 = arith.constant 0 : i32
    %dma_start3A_119 = tpu.memref_slice %arg9[%multiple_of3A_109, %dma_start3A_118] : memref<10240x128xf32, #tpu.memory_space<vmem_shared>> -> memref<128x128xf32, #tpu.memory_space<vmem_shared>>
    tpu.enqueue_dma source(%dma_start3A_119 : memref<128x128xf32, #tpu.memory_space<vmem_shared>>) target(%arg15 : memref<128x128xf32, #tpu.memory_space<vmem>>) target_semaphore(%arg18 : memref<!tpu.dma_semaphore, #tpu.memory_space<semaphore_mem>>)
    %dma_wait3A_120 = arith.constant 0 : i32
    %dma_wait3A_121 = tpu.memref_slice %arg9[%multiple_of3A_109, %dma_wait3A_120] : memref<10240x128xf32, #tpu.memory_space<vmem_shared>> -> memref<128x128xf32, #tpu.memory_space<vmem_shared>>
    %dma_wait3A_122 = arith.constant 0 : i32
    %dma_wait3A_123 = tpu.memref_slice %arg9[%multiple_of3A_109, %dma_wait3A_122] : memref<10240x128xf32, #tpu.memory_space<vmem_shared>> -> memref<128x128xf32, #tpu.memory_space<vmem_shared>>
    tpu.wait_dma2 semaphore(%arg18 : memref<!tpu.dma_semaphore, #tpu.memory_space<semaphore_mem>>) src(%dma_wait3A_123 : memref<128x128xf32, #tpu.memory_space<vmem_shared>>) dst(%arg15 : memref<128x128xf32, #tpu.memory_space<vmem>>)
    %dma_start3A_124 = arith.constant 0 : i32
    %dma_start3A_125 = tpu.memref_slice %arg7[%arg0, %multiple_of3A_109, %dma_start3A_124] : memref<2x10240x128xf32, #tpu.memory_space<hbm>> -> memref<1x128x128xf32, #tpu.memory_space<hbm>>
    %dma_start3A_126 = tpu.memref_squeeze %dma_start3A_125 : memref<1x128x128xf32, #tpu.memory_space<hbm>> -> memref<128x128xf32, #tpu.memory_space<hbm>>
    %dma_start3A_127 = arith.constant 0 : i32
    %dma_start3A_128 = tpu.memref_slice %arg7[%arg0, %multiple_of3A_109, %dma_start3A_127] : memref<2x10240x128xf32, #tpu.memory_space<hbm>> -> memref<1x128x128xf32, #tpu.memory_space<hbm>>
    %dma_start3A_129 = tpu.memref_squeeze %dma_start3A_128 : memref<1x128x128xf32, #tpu.memory_space<hbm>> -> memref<128x128xf32, #tpu.memory_space<hbm>>
    tpu.enqueue_dma source(%arg15 : memref<128x128xf32, #tpu.memory_space<vmem>>) target(%dma_start3A_129 : memref<128x128xf32, #tpu.memory_space<hbm>>) target_semaphore(%arg20 : memref<!tpu.dma_semaphore, #tpu.memory_space<semaphore_mem>>)
    %add3A_130 = arith.constant 384 : i32
    %add3A_131 = arith.addi %mul3A_2, %add3A_130 : i32
    %multiple_of3A_132 = tpu.assume_multiple %add3A_131, 128 : i32
    %dma_wait3A_133 = arith.constant 0 : i32
    %dma_wait3A_134 = tpu.memref_slice %arg7[%arg0, %multiple_of3A_132, %dma_wait3A_133] : memref<2x10240x128xf32, #tpu.memory_space<hbm>> -> memref<1x128x128xf32, #tpu.memory_space<hbm>>
    %dma_wait3A_135 = tpu.memref_squeeze %dma_wait3A_134 : memref<1x128x128xf32, #tpu.memory_space<hbm>> -> memref<128x128xf32, #tpu.memory_space<hbm>>
    %dma_wait3A_136 = arith.constant 0 : i32
    %dma_wait3A_137 = tpu.memref_slice %arg7[%arg0, %multiple_of3A_132, %dma_wait3A_136] : memref<2x10240x128xf32, #tpu.memory_space<hbm>> -> memref<1x128x128xf32, #tpu.memory_space<hbm>>
    %dma_wait3A_138 = tpu.memref_squeeze %dma_wait3A_137 : memref<1x128x128xf32, #tpu.memory_space<hbm>> -> memref<128x128xf32, #tpu.memory_space<hbm>>
    tpu.wait_dma2 semaphore(%arg21 : memref<!tpu.dma_semaphore, #tpu.memory_space<semaphore_mem>>) src(%arg16 : memref<128x128xf32, #tpu.memory_space<vmem>>) dst(%dma_wait3A_138 : memref<128x128xf32, #tpu.memory_space<hbm>>)
    %dma_start3A_139 = arith.constant 0 : i32
    %dma_start3A_140 = tpu.memref_slice %arg9[%multiple_of3A_132, %dma_start3A_139] : memref<10240x128xf32, #tpu.memory_space<vmem_shared>> -> memref<128x128xf32, #tpu.memory_space<vmem_shared>>
    %dma_start3A_141 = arith.constant 0 : i32
    %dma_start3A_142 = tpu.memref_slice %arg9[%multiple_of3A_132, %dma_start3A_141] : memref<10240x128xf32, #tpu.memory_space<vmem_shared>> -> memref<128x128xf32, #tpu.memory_space<vmem_shared>>
    tpu.enqueue_dma source(%dma_start3A_142 : memref<128x128xf32, #tpu.memory_space<vmem_shared>>) target(%arg16 : memref<128x128xf32, #tpu.memory_space<vmem>>) target_semaphore(%arg19 : memref<!tpu.dma_semaphore, #tpu.memory_space<semaphore_mem>>)
    %dma_wait3A_143 = arith.constant 0 : i32
    %dma_wait3A_144 = tpu.memref_slice %arg9[%multiple_of3A_132, %dma_wait3A_143] : memref<10240x128xf32, #tpu.memory_space<vmem_shared>> -> memref<128x128xf32, #tpu.memory_space<vmem_shared>>
    %dma_wait3A_145 = arith.constant 0 : i32
    %dma_wait3A_146 = tpu.memref_slice %arg9[%multiple_of3A_132, %dma_wait3A_145] : memref<10240x128xf32, #tpu.memory_space<vmem_shared>> -> memref<128x128xf32, #tpu.memory_space<vmem_shared>>
    tpu.wait_dma2 semaphore(%arg19 : memref<!tpu.dma_semaphore, #tpu.memory_space<semaphore_mem>>) src(%dma_wait3A_146 : memref<128x128xf32, #tpu.memory_space<vmem_shared>>) dst(%arg16 : memref<128x128xf32, #tpu.memory_space<vmem>>)
    %dma_start3A_147 = arith.constant 0 : i32
    %dma_start3A_148 = tpu.memref_slice %arg7[%arg0, %multiple_of3A_132, %dma_start3A_147] : memref<2x10240x128xf32, #tpu.memory_space<hbm>> -> memref<1x128x128xf32, #tpu.memory_space<hbm>>
    %dma_start3A_149 = tpu.memref_squeeze %dma_start3A_148 : memref<1x128x128xf32, #tpu.memory_space<hbm>> -> memref<128x128xf32, #tpu.memory_space<hbm>>
    %dma_start3A_150 = arith.constant 0 : i32
    %dma_start3A_151 = tpu.memref_slice %arg7[%arg0, %multiple_of3A_132, %dma_start3A_150] : memref<2x10240x128xf32, #tpu.memory_space<hbm>> -> memref<1x128x128xf32, #tpu.memory_space<hbm>>
    %dma_start3A_152 = tpu.memref_squeeze %dma_start3A_151 : memref<1x128x128xf32, #tpu.memory_space<hbm>> -> memref<128x128xf32, #tpu.memory_space<hbm>>
    tpu.enqueue_dma source(%arg16 : memref<128x128xf32, #tpu.memory_space<vmem>>) target(%dma_start3A_152 : memref<128x128xf32, #tpu.memory_space<hbm>>) target_semaphore(%arg21 : memref<!tpu.dma_semaphore, #tpu.memory_space<semaphore_mem>>)
    %add3A_153 = arith.constant 512 : i32
    %add3A_154 = arith.addi %mul3A_2, %add3A_153 : i32
    %multiple_of3A_155 = tpu.assume_multiple %add3A_154, 128 : i32
    %dma_wait3A_156 = arith.constant 0 : i32
    %dma_wait3A_157 = tpu.memref_slice %arg7[%arg0, %multiple_of3A_155, %dma_wait3A_156] : memref<2x10240x128xf32, #tpu.memory_space<hbm>> -> memref<1x128x128xf32, #tpu.memory_space<hbm>>
    %dma_wait3A_158 = tpu.memref_squeeze %dma_wait3A_157 : memref<1x128x128xf32, #tpu.memory_space<hbm>> -> memref<128x128xf32, #tpu.memory_space<hbm>>
    %dma_wait3A_159 = arith.constant 0 : i32
    %dma_wait3A_160 = tpu.memref_slice %arg7[%arg0, %multiple_of3A_155, %dma_wait3A_159] : memref<2x10240x128xf32, #tpu.memory_space<hbm>> -> memref<1x128x128xf32, #tpu.memory_space<hbm>>
    %dma_wait3A_161 = tpu.memref_squeeze %dma_wait3A_160 : memref<1x128x128xf32, #tpu.memory_space<hbm>> -> memref<128x128xf32, #tpu.memory_space<hbm>>
    tpu.wait_dma2 semaphore(%arg20 : memref<!tpu.dma_semaphore, #tpu.memory_space<semaphore_mem>>) src(%arg15 : memref<128x128xf32, #tpu.memory_space<vmem>>) dst(%dma_wait3A_161 : memref<128x128xf32, #tpu.memory_space<hbm>>)
    %dma_start3A_162 = arith.constant 0 : i32
    %dma_start3A_163 = tpu.memref_slice %arg9[%multiple_of3A_155, %dma_start3A_162] : memref<10240x128xf32, #tpu.memory_space<vmem_shared>> -> memref<128x128xf32, #tpu.memory_space<vmem_shared>>
    %dma_start3A_164 = arith.constant 0 : i32
    %dma_start3A_165 = tpu.memref_slice %arg9[%multiple_of3A_155, %dma_start3A_164] : memref<10240x128xf32, #tpu.memory_space<vmem_shared>> -> memref<128x128xf32, #tpu.memory_space<vmem_shared>>
    tpu.enqueue_dma source(%dma_start3A_165 : memref<128x128xf32, #tpu.memory_space<vmem_shared>>) target(%arg15 : memref<128x128xf32, #tpu.memory_space<vmem>>) target_semaphore(%arg18 : memref<!tpu.dma_semaphore, #tpu.memory_space<semaphore_mem>>)
    %dma_wait3A_166 = arith.constant 0 : i32
    %dma_wait3A_167 = tpu.memref_slice %arg9[%multiple_of3A_155, %dma_wait3A_166] : memref<10240x128xf32, #tpu.memory_space<vmem_shared>> -> memref<128x128xf32, #tpu.memory_space<vmem_shared>>
    %dma_wait3A_168 = arith.constant 0 : i32
    %dma_wait3A_169 = tpu.memref_slice %arg9[%multiple_of3A_155, %dma_wait3A_168] : memref<10240x128xf32, #tpu.memory_space<vmem_shared>> -> memref<128x128xf32, #tpu.memory_space<vmem_shared>>
    tpu.wait_dma2 semaphore(%arg18 : memref<!tpu.dma_semaphore, #tpu.memory_space<semaphore_mem>>) src(%dma_wait3A_169 : memref<128x128xf32, #tpu.memory_space<vmem_shared>>) dst(%arg15 : memref<128x128xf32, #tpu.memory_space<vmem>>)
    %dma_start3A_170 = arith.constant 0 : i32
    %dma_start3A_171 = tpu.memref_slice %arg7[%arg0, %multiple_of3A_155, %dma_start3A_170] : memref<2x10240x128xf32, #tpu.memory_space<hbm>> -> memref<1x128x128xf32, #tpu.memory_space<hbm>>
    %dma_start3A_172 = tpu.memref_squeeze %dma_start3A_171 : memref<1x128x128xf32, #tpu.memory_space<hbm>> -> memref<128x128xf32, #tpu.memory_space<hbm>>
    %dma_start3A_173 = arith.constant 0 : i32
    %dma_start3A_174 = tpu.memref_slice %arg7[%arg0, %multiple_of3A_155, %dma_start3A_173] : memref<2x10240x128xf32, #tpu.memory_space<hbm>> -> memref<1x128x128xf32, #tpu.memory_space<hbm>>
    %dma_start3A_175 = tpu.memref_squeeze %dma_start3A_174 : memref<1x128x128xf32, #tpu.memory_space<hbm>> -> memref<128x128xf32, #tpu.memory_space<hbm>>
    tpu.enqueue_dma source(%arg15 : memref<128x128xf32, #tpu.memory_space<vmem>>) target(%dma_start3A_175 : memref<128x128xf32, #tpu.memory_space<hbm>>) target_semaphore(%arg20 : memref<!tpu.dma_semaphore, #tpu.memory_space<semaphore_mem>>)
    %add3A_176 = arith.constant 384 : i32
    %add3A_177 = arith.addi %mul3A_2, %add3A_176 : i32
    %multiple_of3A_178 = tpu.assume_multiple %add3A_177, 128 : i32
    %dma_wait3A_179 = arith.constant 0 : i32
    %dma_wait3A_180 = tpu.memref_slice %arg7[%arg0, %multiple_of3A_178, %dma_wait3A_179] : memref<2x10240x128xf32, #tpu.memory_space<hbm>> -> memref<1x128x128xf32, #tpu.memory_space<hbm>>
    %dma_wait3A_181 = tpu.memref_squeeze %dma_wait3A_180 : memref<1x128x128xf32, #tpu.memory_space<hbm>> -> memref<128x128xf32, #tpu.memory_space<hbm>>
    %dma_wait3A_182 = arith.constant 0 : i32
    %dma_wait3A_183 = tpu.memref_slice %arg7[%arg0, %multiple_of3A_178, %dma_wait3A_182] : memref<2x10240x128xf32, #tpu.memory_space<hbm>> -> memref<1x128x128xf32, #tpu.memory_space<hbm>>
    %dma_wait3A_184 = tpu.memref_squeeze %dma_wait3A_183 : memref<1x128x128xf32, #tpu.memory_space<hbm>> -> memref<128x128xf32, #tpu.memory_space<hbm>>
    tpu.wait_dma2 semaphore(%arg21 : memref<!tpu.dma_semaphore, #tpu.memory_space<semaphore_mem>>) src(%arg16 : memref<128x128xf32, #tpu.memory_space<vmem>>) dst(%dma_wait3A_184 : memref<128x128xf32, #tpu.memory_space<hbm>>)
    %add3A_185 = arith.constant 512 : i32
    %add3A_186 = arith.addi %mul3A_2, %add3A_185 : i32
    %multiple_of3A_187 = tpu.assume_multiple %add3A_186, 128 : i32
    %dma_wait3A_188 = arith.constant 0 : i32
    %dma_wait3A_189 = tpu.memref_slice %arg7[%arg0, %multiple_of3A_187, %dma_wait3A_188] : memref<2x10240x128xf32, #tpu.memory_space<hbm>> -> memref<1x128x128xf32, #tpu.memory_space<hbm>>
    %dma_wait3A_190 = tpu.memref_squeeze %dma_wait3A_189 : memref<1x128x128xf32, #tpu.memory_space<hbm>> -> memref<128x128xf32, #tpu.memory_space<hbm>>
    %dma_wait3A_191 = arith.constant 0 : i32
    %dma_wait3A_192 = tpu.memref_slice %arg7[%arg0, %multiple_of3A_187, %dma_wait3A_191] : memref<2x10240x128xf32, #tpu.memory_space<hbm>> -> memref<1x128x128xf32, #tpu.memory_space<hbm>>
    %dma_wait3A_193 = tpu.memref_squeeze %dma_wait3A_192 : memref<1x128x128xf32, #tpu.memory_space<hbm>> -> memref<128x128xf32, #tpu.memory_space<hbm>>
    tpu.wait_dma2 semaphore(%arg20 : memref<!tpu.dma_semaphore, #tpu.memory_space<semaphore_mem>>) src(%arg15 : memref<128x128xf32, #tpu.memory_space<vmem>>) dst(%dma_wait3A_193 : memref<128x128xf32, #tpu.memory_space<hbm>>)
    %dma_wait3A_194 = arith.constant 0 : i32
    %dma_wait3A_195 = tpu.memref_slice %arg8[%add3A, %dma_wait3A_194] : memref<32x10240xf32, #tpu.memory_space<hbm>> -> memref<1x10240xf32, #tpu.memory_space<hbm>>
    %dma_wait3A_196 = tpu.memref_squeeze %dma_wait3A_195 : memref<1x10240xf32, #tpu.memory_space<hbm>> -> memref<10240xf32, #tpu.memory_space<hbm>>
    %dma_wait3A_197 = arith.constant 0 : i32
    %dma_wait3A_198 = tpu.memref_slice %arg8[%add3A, %dma_wait3A_197] : memref<32x10240xf32, #tpu.memory_space<hbm>> -> memref<1x10240xf32, #tpu.memory_space<hbm>>
    %dma_wait3A_199 = tpu.memref_squeeze %dma_wait3A_198 : memref<1x10240xf32, #tpu.memory_space<hbm>> -> memref<10240xf32, #tpu.memory_space<hbm>>
    tpu.wait_dma2 semaphore(%arg17 : memref<!tpu.dma_semaphore, #tpu.memory_space<semaphore_mem>>) src(%arg10 : memref<10240xf32, #tpu.memory_space<vmem>>) dst(%dma_wait3A_199 : memref<10240xf32, #tpu.memory_space<hbm>>)
    return
  }
}

module attributes {stable_mosaic.version = 14 : i64} {
  func.func @body(%arg0: i32, %arg1: memref<2x1000x128xf32, #tpu.memory_space<vmem>>, %arg2: memref<1000x32xf32, #tpu.memory_space<vmem>>, %arg3: memref<1000x128xf32, #tpu.memory_space<vmem>>, %arg4: memref<128x128xf32, #tpu.memory_space<vmem>>, %arg5: memref<1x128xf32, #tpu.memory_space<vmem>>, %arg6: memref<128x128xf32, #tpu.memory_space<vmem>>, %arg7: memref<1000x128xf32, #tpu.memory_space<vmem>>) attributes {dimension_semantics = [#tpu.dimension_semantics<arbitrary>], iteration_bounds = array<i64: 10>, scalar_prefetch = 0 : i64, scratch_operands = 0 : i64, tpu.core_type = #tpu.core_type<tc>, window_params = [{transform_indices = @transform_0, window_bounds = array<i64: 2, 1000, 128>}, {transform_indices = @transform_1, window_bounds = array<i64: 1000, 32>}, {transform_indices = @transform_2, window_bounds = array<i64: 1000, 128>}, {pipeline_mode = #tpu.pipeline_mode<synchronous>, transform_indices = @transform_3, window_bounds = array<i64: 128, 128>}, {pipeline_mode = #tpu.pipeline_mode<synchronous>, transform_indices = @transform_4, window_bounds = array<i64: 1, 128>}, {pipeline_mode = #tpu.pipeline_mode<synchronous>, transform_indices = @transform_5, window_bounds = array<i64: 128, 128>}, {transform_indices = @transform_6, window_bounds = array<i64: 1000, 128>}]} {
    %get3A = arith.constant 0 : index
    %get3A_0 = arith.constant 0 : index
    %get3A_1 = arith.constant 0 : index
    %get3A_2 = vector.load %arg1[%get3A, %get3A_0, %get3A_1] : memref<2x1000x128xf32, #tpu.memory_space<vmem>>, vector<2x1000x128xf32>
    %slice3A = vector.extract_strided_slice %get3A_2 {offsets = [0, 0, 0], sizes = [1, 1000, 128], strides = [1, 1, 1]} : vector<2x1000x128xf32> to vector<1x1000x128xf32>
    %squeeze3A = vector.shape_cast %slice3A : vector<1x1000x128xf32> to vector<1000x128xf32>
    %slice3A_3 = vector.extract_strided_slice %get3A_2 {offsets = [1, 0, 0], sizes = [1, 1000, 128], strides = [1, 1, 1]} : vector<2x1000x128xf32> to vector<1x1000x128xf32>
    %squeeze3A_4 = vector.shape_cast %slice3A_3 : vector<1x1000x128xf32> to vector<1000x128xf32>
    %add3A = arith.addf %squeeze3A, %squeeze3A_4 : vector<1000x128xf32>
    %get3A_5 = arith.constant 0 : index
    %get3A_6 = arith.constant 0 : index
    %get3A_7 = vector.load %arg2[%get3A_5, %get3A_6] : memref<1000x32xf32, #tpu.memory_space<vmem>>, vector<1000x32xf32>
    %reduce_sum3A = arith.constant dense<0.000000e+00> : vector<1000xf32>
    %reduce_sum3A_8 = vector.multi_reduction <add>, %get3A_7, %reduce_sum3A [1] : vector<1000x32xf32> to vector<1000xf32>
    %broadcast_in_dim3A = vector.shape_cast %reduce_sum3A_8 : vector<1000xf32> to vector<1000x1xf32>
    %max3A = arith.constant 1.000000e+00 : f32
    %max3A_9 = vector.broadcast %max3A : f32 to vector<1000x1xf32>
    %max3A_10 = arith.maximumf %broadcast_in_dim3A, %max3A_9 : vector<1000x1xf32>
    %div3A = arith.constant 1.000000e+00 : f32
    %div3A_11 = vector.broadcast %div3A : f32 to vector<1000x1xf32>
    %div3A_12 = arith.divf %div3A_11, %max3A_10 : vector<1000x1xf32>
    %mul3A = vector.broadcast %div3A_12 : vector<1000x1xf32> to vector<1000x128xf32>
    %mul3A_13 = arith.mulf %add3A, %mul3A : vector<1000x128xf32>
    %get3A_14 = arith.constant 0 : index
    %get3A_15 = arith.constant 0 : index
    %get3A_16 = vector.load %arg4[%get3A_14, %get3A_15] : memref<128x128xf32, #tpu.memory_space<vmem>>, vector<128x128xf32>
    %dot_general3A = arith.constant dense<0.000000e+00> : vector<1000x128xf32>
    %dot_general3A_17 = tpu.matmul %mul3A_13, %get3A_16, %dot_general3A {dimension_numbers = #tpu.dot_dimension_numbers<[1], [0], [0], [1], [0, 0, 1, 1], [], []>, transpose_lhs_hint = false} : vector<1000x128xf32>, vector<128x128xf32>, vector<1000x128xf32> -> vector<1000x128xf32>
    %get3A_18 = arith.constant 0 : index
    %get3A_19 = arith.constant 0 : index
    %get3A_20 = vector.load %arg5[%get3A_18, %get3A_19] : memref<1x128xf32, #tpu.memory_space<vmem>>, vector<1x128xf32>
    %add3A_21 = vector.broadcast %get3A_20 : vector<1x128xf32> to vector<1000x128xf32>
    %add3A_22 = arith.addf %dot_general3A_17, %add3A_21 : vector<1000x128xf32>
    %get3A_23 = arith.constant 0 : index
    %get3A_24 = arith.constant 0 : index
    %get3A_25 = vector.load %arg3[%get3A_23, %get3A_24] : memref<1000x128xf32, #tpu.memory_space<vmem>>, vector<1000x128xf32>
    %get3A_26 = arith.constant 0 : index
    %get3A_27 = arith.constant 0 : index
    %get3A_28 = vector.load %arg6[%get3A_26, %get3A_27] : memref<128x128xf32, #tpu.memory_space<vmem>>, vector<128x128xf32>
    %dot_general3A_29 = arith.constant dense<0.000000e+00> : vector<1000x128xf32>
    %dot_general3A_30 = tpu.matmul %get3A_25, %get3A_28, %dot_general3A_29 {dimension_numbers = #tpu.dot_dimension_numbers<[1], [0], [0], [1], [0, 0, 1, 1], [], []>, transpose_lhs_hint = false} : vector<1000x128xf32>, vector<128x128xf32>, vector<1000x128xf32> -> vector<1000x128xf32>
    %add3A_31 = arith.addf %add3A_22, %dot_general3A_30 : vector<1000x128xf32>
    %max3A_32 = arith.constant 0.000000e+00 : f32
    %max3A_33 = vector.broadcast %max3A_32 : f32 to vector<1000x128xf32>
    %max3A_34 = arith.maximumf %add3A_31, %max3A_33 : vector<1000x128xf32>
    %swap3A = arith.constant 0 : index
    %swap3A_35 = arith.constant 0 : index
    %swap3A_36 = vector.load %arg7[%swap3A, %swap3A_35] : memref<1000x128xf32, #tpu.memory_space<vmem>>, vector<1000x128xf32>
    tpu.vector_store %arg7[%swap3A, %swap3A_35], %max3A_34 {strides = array<i32>} : memref<1000x128xf32, #tpu.memory_space<vmem>>, vector<1000x128xf32>,
    return
  }
  func.func @transform_0(%arg0: i32) -> (i32, i32, i32) {
    %c0_i32 = arith.constant 0 : i32
    %c0_i32_0 = arith.constant 0 : i32
    %c0_i32_1 = arith.constant 0 : i32
    return %c0_i32, %arg0, %c0_i32_0 : i32, i32, i32
  }
  func.func @transform_1(%arg0: i32) -> (i32, i32) {
    %c0_i32 = arith.constant 0 : i32
    %c0_i32_0 = arith.constant 0 : i32
    return %arg0, %c0_i32 : i32, i32
  }
  func.func @transform_2(%arg0: i32) -> (i32, i32) {
    %c0_i32 = arith.constant 0 : i32
    %c0_i32_0 = arith.constant 0 : i32
    return %arg0, %c0_i32 : i32, i32
  }
  func.func @transform_3(%arg0: i32) -> (i32, i32) {
    %c0_i32 = arith.constant 0 : i32
    %c0_i32_0 = arith.constant 0 : i32
    %c0_i32_1 = arith.constant 0 : i32
    return %c0_i32, %c0_i32_0 : i32, i32
  }
  func.func @transform_4(%arg0: i32) -> (i32, i32) {
    %c0_i32 = arith.constant 0 : i32
    %c0_i32_0 = arith.constant 0 : i32
    %c0_i32_1 = arith.constant 0 : i32
    return %c0_i32, %c0_i32_0 : i32, i32
  }
  func.func @transform_5(%arg0: i32) -> (i32, i32) {
    %c0_i32 = arith.constant 0 : i32
    %c0_i32_0 = arith.constant 0 : i32
    %c0_i32_1 = arith.constant 0 : i32
    return %c0_i32, %c0_i32_0 : i32, i32
  }
  func.func @transform_6(%arg0: i32) -> (i32, i32) {
    %c0_i32 = arith.constant 0 : i32
    %c0_i32_0 = arith.constant 0 : i32
    return %arg0, %c0_i32 : i32, i32
  }
}

module attributes {stable_mosaic.version = 14 : i64} {
  func.func @body(%arg0: i32, %arg1: memref<2x1000x128xf32, #tpu.memory_space<vmem>>, %arg2: memref<1000x32xf32, #tpu.memory_space<vmem>>, %arg3: memref<1000x128xf32, #tpu.memory_space<vmem>>, %arg4: memref<128x128xf32, #tpu.memory_space<vmem>>, %arg5: memref<1x128xf32, #tpu.memory_space<vmem>>, %arg6: memref<128x128xf32, #tpu.memory_space<vmem>>, %arg7: memref<1000x128xf32, #tpu.memory_space<vmem>>) attributes {dimension_semantics = [#tpu.dimension_semantics<arbitrary>], iteration_bounds = array<i64: 10>, scalar_prefetch = 0 : i64, scratch_operands = 0 : i64, tpu.core_type = #tpu.core_type<tc>, window_params = [{transform_indices = @transform_0, window_bounds = array<i64: 2, 1000, 128>}, {transform_indices = @transform_1, window_bounds = array<i64: 1000, 32>}, {transform_indices = @transform_2, window_bounds = array<i64: 1000, 128>}, {pipeline_mode = #tpu.pipeline_mode<synchronous>, transform_indices = @transform_3, window_bounds = array<i64: 128, 128>}, {pipeline_mode = #tpu.pipeline_mode<synchronous>, transform_indices = @transform_4, window_bounds = array<i64: 1, 128>}, {pipeline_mode = #tpu.pipeline_mode<synchronous>, transform_indices = @transform_5, window_bounds = array<i64: 128, 128>}, {transform_indices = @transform_6, window_bounds = array<i64: 1000, 128>}]} {
    %get3A = arith.constant 0 : index
    %get3A_0 = arith.constant 0 : index
    %get3A_1 = arith.constant 0 : index
    %get3A_2 = vector.load %arg1[%get3A, %get3A_0, %get3A_1] : memref<2x1000x128xf32, #tpu.memory_space<vmem>>, vector<2x1000x128xf32>
    %slice3A = vector.extract_strided_slice %get3A_2 {offsets = [0, 0, 0], sizes = [1, 1000, 128], strides = [1, 1, 1]} : vector<2x1000x128xf32> to vector<1x1000x128xf32>
    %squeeze3A = vector.shape_cast %slice3A : vector<1x1000x128xf32> to vector<1000x128xf32>
    %slice3A_3 = vector.extract_strided_slice %get3A_2 {offsets = [1, 0, 0], sizes = [1, 1000, 128], strides = [1, 1, 1]} : vector<2x1000x128xf32> to vector<1x1000x128xf32>
    %squeeze3A_4 = vector.shape_cast %slice3A_3 : vector<1x1000x128xf32> to vector<1000x128xf32>
    %add3A = arith.addf %squeeze3A, %squeeze3A_4 : vector<1000x128xf32>
    %get3A_5 = arith.constant 0 : index
    %get3A_6 = arith.constant 0 : index
    %get3A_7 = vector.load %arg2[%get3A_5, %get3A_6] : memref<1000x32xf32, #tpu.memory_space<vmem>>, vector<1000x32xf32>
    %reduce_sum3A = arith.constant dense<0.000000e+00> : vector<1000xf32>
    %reduce_sum3A_8 = vector.multi_reduction <add>, %get3A_7, %reduce_sum3A [1] : vector<1000x32xf32> to vector<1000xf32>
    %broadcast_in_dim3A = vector.shape_cast %reduce_sum3A_8 : vector<1000xf32> to vector<1000x1xf32>
    %max3A = arith.constant 1.000000e+00 : f32
    %max3A_9 = vector.broadcast %max3A : f32 to vector<1000x1xf32>
    %max3A_10 = arith.maximumf %broadcast_in_dim3A, %max3A_9 : vector<1000x1xf32>
    %div3A = arith.constant 1.000000e+00 : f32
    %div3A_11 = vector.broadcast %div3A : f32 to vector<1000x1xf32>
    %div3A_12 = arith.divf %div3A_11, %max3A_10 : vector<1000x1xf32>
    %mul3A = vector.broadcast %div3A_12 : vector<1000x1xf32> to vector<1000x128xf32>
    %mul3A_13 = arith.mulf %add3A, %mul3A : vector<1000x128xf32>
    %get3A_14 = arith.constant 0 : index
    %get3A_15 = arith.constant 0 : index
    %get3A_16 = vector.load %arg4[%get3A_14, %get3A_15] : memref<128x128xf32, #tpu.memory_space<vmem>>, vector<128x128xf32>
    %dot_general3A = arith.constant dense<0.000000e+00> : vector<1000x128xf32>
    %dot_general3A_17 = tpu.matmul %mul3A_13, %get3A_16, %dot_general3A {dimension_numbers = #tpu.dot_dimension_numbers<[1], [0], [0], [1], [0, 0, 1, 1], [], []>, transpose_lhs_hint = false} : vector<1000x128xf32>, vector<128x128xf32>, vector<1000x128xf32> -> vector<1000x128xf32>
    %get3A_18 = arith.constant 0 : index
    %get3A_19 = arith.constant 0 : index
    %get3A_20 = vector.load %arg5[%get3A_18, %get3A_19] : memref<1x128xf32, #tpu.memory_space<vmem>>, vector<1x128xf32>
    %add3A_21 = vector.broadcast %get3A_20 : vector<1x128xf32> to vector<1000x128xf32>
    %add3A_22 = arith.addf %dot_general3A_17, %add3A_21 : vector<1000x128xf32>
    %get3A_23 = arith.constant 0 : index
    %get3A_24 = arith.constant 0 : index
    %get3A_25 = vector.load %arg3[%get3A_23, %get3A_24] : memref<1000x128xf32, #tpu.memory_space<vmem>>, vector<1000x128xf32>
    %get3A_26 = arith.constant 0 : index
    %get3A_27 = arith.constant 0 : index
    %get3A_28 = vector.load %arg6[%get3A_26, %get3A_27] : memref<128x128xf32, #tpu.memory_space<vmem>>, vector<128x128xf32>
    %dot_general3A_29 = arith.constant dense<0.000000e+00> : vector<1000x128xf32>
    %dot_general3A_30 = tpu.matmul %get3A_25, %get3A_28, %dot_general3A_29 {dimension_numbers = #tpu.dot_dimension_numbers<[1], [0], [0], [1], [0, 0, 1, 1], [], []>, transpose_lhs_hint = false} : vector<1000x128xf32>, vector<128x128xf32>, vector<1000x128xf32> -> vector<1000x128xf32>
    %add3A_31 = arith.addf %add3A_22, %dot_general3A_30 : vector<1000x128xf32>
    %swap3A = arith.constant 0 : index
    %swap3A_32 = arith.constant 0 : index
    %swap3A_33 = vector.load %arg7[%swap3A, %swap3A_32] : memref<1000x128xf32, #tpu.memory_space<vmem>>, vector<1000x128xf32>
    tpu.vector_store %arg7[%swap3A, %swap3A_32], %add3A_31 {strides = array<i32>} : memref<1000x128xf32, #tpu.memory_space<vmem>>, vector<1000x128xf32>,
    return
  }
  func.func @transform_0(%arg0: i32) -> (i32, i32, i32) {
    %c0_i32 = arith.constant 0 : i32
    %c0_i32_0 = arith.constant 0 : i32
    %c0_i32_1 = arith.constant 0 : i32
    return %c0_i32, %arg0, %c0_i32_0 : i32, i32, i32
  }
  func.func @transform_1(%arg0: i32) -> (i32, i32) {
    %c0_i32 = arith.constant 0 : i32
    %c0_i32_0 = arith.constant 0 : i32
    return %arg0, %c0_i32 : i32, i32
  }
  func.func @transform_2(%arg0: i32) -> (i32, i32) {
    %c0_i32 = arith.constant 0 : i32
    %c0_i32_0 = arith.constant 0 : i32
    return %arg0, %c0_i32 : i32, i32
  }
  func.func @transform_3(%arg0: i32) -> (i32, i32) {
    %c0_i32 = arith.constant 0 : i32
    %c0_i32_0 = arith.constant 0 : i32
    %c0_i32_1 = arith.constant 0 : i32
    return %c0_i32, %c0_i32_0 : i32, i32
  }
  func.func @transform_4(%arg0: i32) -> (i32, i32) {
    %c0_i32 = arith.constant 0 : i32
    %c0_i32_0 = arith.constant 0 : i32
    %c0_i32_1 = arith.constant 0 : i32
    return %c0_i32, %c0_i32_0 : i32, i32
  }
  func.func @transform_5(%arg0: i32) -> (i32, i32) {
    %c0_i32 = arith.constant 0 : i32
    %c0_i32_0 = arith.constant 0 : i32
    %c0_i32_1 = arith.constant 0 : i32
    return %c0_i32, %c0_i32_0 : i32, i32
  }
  func.func @transform_6(%arg0: i32) -> (i32, i32) {
    %c0_i32 = arith.constant 0 : i32
    %c0_i32_0 = arith.constant 0 : i32
    return %arg0, %c0_i32 : i32, i32
  }
}

</mosaic_0001>

<sc_bundles>
// kernel: kernel.6.cloned.1.call-start
scs
__scs_entry_jumppad:
0x0: {  	(pc) =	sbr.rel $0x88, $3  }
0x1: {  	(tag) =	ssettag $0x0;
	lr =	simm.s32 $0x1  }
0x2: {  	[smem:$0x3F98] =	sst lr;
	_ =	strace $0xD0000000  }
0x3: {  	_ = 	snop  }
0x4: {  	_ = 	snop  }
0x5: {  	_ = 	snop  }
0x6: {  	_ = 	snop  }
0x7: {  	_ = 	snop  }
__scs_overlays_trampoline_lowered:
0x8: {  	[smem:$0x3FA7] =	sst s0  }
0x9: {  	[smem:$0x3FA8] =	sst s1  }
0xa: {  	[smem:$0x3FA9] =	sst s2  }
0xb: {  	[smem:$0x3FAA] =	sst s3  }
0xc: {  	[smem:$0x3FAB] =	sst s4  }
0xd: {  	[smem:$0x3FAC] =	sst s5  }
0xe: {  	[smem:$0x3FAD] =	sst s6  }
0xf: {  	[smem:$0x3FAE] =	sst s7  }
0x10: {  	[smem:$0x3FAF] =	sst s8  }
0x11: {  	[smem:$0x3FB0] =	sst s9;
	s0 =	simm.s32 @!p0 $0x0  }
0x12: {  	s1 =	sld [smem:$0x3F96];
	s0 =	simm.s32 @p0 $0x1  }
0x13: {  	[smem:$0x3FB1] =	sst s0;
	s0 =	simm.s32 @!p1 $0x0  }
0x14: {  	s2 =	sld [smem:$0x3F95];
	s0 =	simm.s32 @p1 $0x1  }
0x15: {  	[smem:$0x3FB2] =	sst s0;
	s0 =	simm.s32 @!p2 $0x0  }
0x16: {  	s3 =	sld [smem:$0x3FDB];
	s0 =	simm.s32 @p2 $0x1  }
0x17: {  	s4 =	simm.s32 $0x1BF5;
	[smem:$0x3FB4] =	sst s0  }
0x18: {  	s0 =	sld [smem:$0x3F97];
	_ =	swait.ge [sflag:s4], $0x0  }
0x19: {  	s7 =	sld [smem:$0x3F98]  }
0x1a: {  	s8 =	sadd.s32 $0xFFFFE003, lr  }
0x1b: {  	s9 =	sadd.s32 $0xFFFFFEF7, lr;
	s5 =	simm.s32 $0xFFFFFFFF;
	p2 =	slt.u32 s8, $0xFFFFF086  }
0x1c: {  	p1 =	slt.u32 s9, $0xF7A;
	s5 =	simm.s32 @!p2 $0x0  }
0x1d: {  	s5 =	simm.s32 @p1 $0x1;
	p0 =	seq.s32 s7, s2  }
0x1e: {  	s7 =	smul.u32 @!p0 $0xF7A, s2;
	p2 =	seq.s32 @!p0 s5, $0x0  }
0x1f: {  	s9 =	smul.u32 $0xF7A, s1;
	s8 =	simm.s32 @!p0 $0x1BF5;
	p2 =	por !p2, p0  }
0x20: {  	[sflag:s8] =	ssyncset.s32 @!p0 $0xFFFFF086;
	s6 =	sadd.s32 @!p0 s3, s7;
	s7 =	simm.s32 @!p0 $0x108  }
0x21: {  	s3 =	sadd.s32 s3, s9;
	s6 =	sadd.s32 @!p0 $0x88, s6;
	s7 =	simm.s32 @p2 $0x1082  }
0x22: {  	[simem:s7], [sflag:s8] =	dma.local @!p0 [hbm:s6], $0xF7A  }
0x23: {  	s9 =	sor.u32 $0xD0000000, s2;
	s6 =	simm.s32 $0x108;
	_ =	swait.ge @!p0 [sflag:s8], $0x0  }
0x24: {  	s3 =	sadd.s32 $0x88, s3;
	s6 =	simm.s32 @!p1 $0x1082;
	[sflag:s4] =	ssyncset.s32 $0xFFFFF086  }
0x25: {  	[simem:s6], [sflag:s4] =	dma.local [hbm:s3], $0xF7A  }
0x26: {  	[smem:$0x3F98] =	sst s1;
	(tag) =	ssettag s2;
	_ =	strace s9  }
0x27: {  	s1 =	sld [smem:$0x3FA8]  }
0x28: {  	s2 =	sld [smem:$0x3FA9]  }
0x29: {  	s4 =	sld [smem:$0x3FAB]  }
0x2a: {  	p0 =	seq.s32 s5, $0x0;
	s5 =	sld [smem:$0x3FAC]  }
0x2b: {  	s6 =	sld [smem:$0x3FAD]  }
0x2c: {  	s7 =	sld [smem:$0x3FAE]  }
0x2d: {  	s3 =	simm.s32 $0x108;
	s8 =	sld [smem:$0x3FAF]  }
0x2e: {  	s3 =	simm.s32 @!p0 $0x1082;
	s9 =	sld [smem:$0x3FB0]  }
0x2f: {  	lr =	sadd.s32 s0, s3;
	s0 =	sld [smem:$0x3FA7]  }
0x30: {  	s3 =	sld [smem:$0x3FAA]  }
0x31: {  	[smem:$0x3FB3] =	sst s10  }
0x32: {  	s10 =	sld [smem:$0x3FB1];
	_ =	sdelay $0x3  }
0x33: {  	p0 =	seq.s32 s10, $0x1;
	s10 =	sld [smem:$0x3FB3];
	_ =	sdelay $0x3  }
0x34: {  	[smem:$0x3FB3] =	sst s10  }
0x35: {  	s10 =	sld [smem:$0x3FB2];
	_ =	sdelay $0x3  }
0x36: {  	p1 =	seq.s32 s10, $0x1;
	s10 =	sld [smem:$0x3FB3];
	_ =	sdelay $0x3  }
0x37: {  	[smem:$0x3FB3] =	sst s10  }
0x38: {  	s10 =	sld [smem:$0x3FB4]  }
0x39: {  	_ = 	snop;
	(pc) =	sbr.ind lr, $3  }
0x3a: {  	_ = 	snop  }
0x3b: {  	_ = 	snop  }
0x3c: {  	p2 =	seq.s32 s10, $0x1;
	s10 =	sld [smem:$0x3FB3]  }
0x3d: {  	_ =	shalt  }
0x3e: {  	_ =	shalt  }
0x3f: {  	_ =	shalt  }
0x40: {  	_ =	shalt  }
0x41: {  	_ =	shalt  }
0x42: {  	_ =	shalt  }
0x43: {  	_ =	shalt  }
0x44: {  	_ =	shalt  }
0x45: {  	_ =	shalt  }
0x46: {  	_ =	shalt  }
0x47: {  	_ =	shalt  }
0x48: {  	_ =	shalt  }
0x49: {  	_ =	shalt  }
0x4a: {  	_ =	shalt  }
0x4b: {  	_ =	shalt  }
0x4c: {  	_ =	shalt  }
0x4d: {  	_ =	shalt  }
0x4e: {  	_ =	shalt  }
0x4f: {  	_ =	shalt  }
0x50: {  	_ =	shalt  }
0x51: {  	_ =	shalt  }
0x52: {  	_ =	shalt  }
0x53: {  	_ =	shalt  }
0x54: {  	_ =	shalt  }
0x55: {  	_ =	shalt  }
0x56: {  	_ =	shalt  }
0x57: {  	_ =	shalt  }
0x58: {  	_ =	shalt  }
0x59: {  	_ =	shalt  }
0x5a: {  	_ =	shalt  }
0x5b: {  	_ =	shalt  }
0x5c: {  	_ =	shalt  }
0x5d: {  	_ =	shalt  }
0x5e: {  	_ =	shalt  }
0x5f: {  	_ =	shalt  }
0x60: {  	_ =	shalt  }
0x61: {  	_ =	shalt  }
0x62: {  	_ =	shalt  }
0x63: {  	_ =	shalt  }
0x64: {  	_ =	shalt  }
0x65: {  	_ =	shalt  }
0x66: {  	_ =	shalt  }
0x67: {  	_ =	shalt  }
0x68: {  	_ =	shalt  }
0x69: {  	_ =	shalt  }
0x6a: {  	_ =	shalt  }
0x6b: {  	_ =	shalt  }
0x6c: {  	_ =	shalt  }
0x6d: {  	_ =	shalt  }
0x6e: {  	_ =	shalt  }
0x6f: {  	_ =	shalt  }
0x70: {  	_ =	shalt  }
0x71: {  	_ =	shalt  }
0x72: {  	_ =	shalt  }
0x73: {  	_ =	shalt  }
0x74: {  	_ =	shalt  }
0x75: {  	_ =	shalt  }
0x76: {  	_ =	shalt  }
0x77: {  	_ =	shalt  }
0x78: {  	_ =	shalt  }
0x79: {  	_ =	shalt  }
0x7a: {  	_ =	shalt  }
0x7b: {  	_ =	shalt  }
0x7c: {  	_ =	shalt  }
0x7d: {  	_ =	shalt  }
0x7e: {  	_ =	shalt  }
0x7f: {  	_ =	shalt  }
0x80: {  	_ =	shalt  }
0x81: {  	_ =	shalt  }
0x82: {  	_ =	shalt  }
0x83: {  	_ =	shalt  }
0x84: {  	_ =	shalt  }
0x85: {  	_ =	shalt  }
0x86: {  	_ =	shalt  }
0x87: {  	_ =	shalt  }
.Lfunc_end0:
.L_simem_size_0:
called_computation_lowered:
.L_overlay_start_0:
0x88: {  	s2 =	sld [smem:$0x3FD9]  }
0x89: {  	s3 =	sld [smem:$0x3FFE];
	_ =	sdelay $0x1  }
0x8a: {  	s1 =	srdreg.scid  }
0x8b: {  	s0 =	sand.u32 $0x1, s1  }
0x8c: {  	s17 =	sshll.u32 s0, $0xA;
	s2 =	sadd.s32 s3, s2  }
0x8d: {  	s2 =	sadd.s32 s2, s17  }
0x8e: {  	[smem:$0x3FBF] =	sst s2  }
0x8f: {  	_ = 	snop  }
0x90: {  	s2 =	sld [smem:$0x3FC9]  }
0x91: {  	s18 =	sld [smem:$0x3FD0];
	(tm) =	ssettm $0x1  }
0x92: {  	s4 =	sld [smem:$0x3FFB];
	_ =	sdelay $0x3  }
0x93: {  	_ =	strace s4  }
0x94: {  	s4 =	sld [smem:$0x3FFC];
	_ =	sdelay $0x3  }
0x95: {  	_ =	strace s4  }
0x96: {  	s4 =	sld [smem:$0x3FFD];
	_ =	sdelay $0x3  }
0x97: {  	_ =	strace s4  }
0x98: {  	_ =	strace $0x8FFFFFFF  }
0x99: {  	s19 =	sld [smem:$0x3FDB];
	_ =	sdelay $0x1  }
0x9a: {  	s5 =	simm.s32 $_scs_section_size  }
0x9b: {  	s6 =	simm.s32 $_size__tile_overlayer_lowered;
	s7 =	simm.s32 $_tile_overlayer_lowered  }
0x9c: {  	s22 =	simm.s32 $0x1BFF;
	s21 =	sshll.u32 s7, $0x1;
	s4 =	sadd.s32 s5, s19  }
0x9d: {  	s8 =	simm.s32 $0x0;
	s20 =	sshll.u32 s6, $0x1;
	s6 =	sadd.s32 s21, s4  }
0x9e: {  	[timem:s8], [sflag:s22] =	dma.local [hbm:s6], s20  }
0x9f: {  	_ =	swait.ge [sflag:s22], s20  }
0xa0: {  	s5 =	ssub.s32 $0x0, s20;
	[sflag:s22] =	ssyncset.done $0x0  }
0xa1: {  	[sflag:s22] =	ssyncadd.s32 s5;
	_ =	sdelay $0x1  }
0xa2: {  	s23 =	simm.s32 $0x1B8B  }
0xa3: {  	_ =	swait.ge [sflag:s23], $0x1  }
0xa4: {  	[sflag:s23] =	ssyncset.done $0x0  }
0xa5: {  	s25 =	simm.s32 $0x1B8E;
	s24 =	sld [smem:$0x3FFE];
	[sflag:s23] =	ssyncadd.s32 $0xFFFFFFFF  }
0xa6: {  	s26 =	simm.s32 $execute0_lowered;
	[smem:$0x3FD2] =	sst s25  }
0xa7: {  	s6 =	sshll.u32 s26, $0x1;
	_ =	strace $0x80000046;
	[dreg:$0x1] =	wrdreg $0xFFFFFFFF  }
0xa8: {  	s28 =	simm.s32 $_size_execute0_lowered;
	s4 =	sadd.s32 s4, s6;
	[dreg:$0x0] =	wrdreg $0x0  }
0xa9: {  	s6 =	sshll.u32 s28, $0x1;
	[dreg:$0x2] =	wrdreg s4  }
0xaa: {  	[dreg:$0x3] =	wrdreg s6  }
0xab: {  	[dreg:$0x4] =	wrdreg $0xC0  }
0xac: {  	_ =	task [dreg:s8], $0x5FFFF  }
0xad: {  	[dreg:$0x1] =	wrdreg $0xFFFFFFFF  }
0xae: {  	[dreg:$0x0] =	wrdreg $0x60  }
0xaf: {  	[dreg:$0x2] =	wrdreg s2  }
0xb0: {  	[dreg:$0x3] =	wrdreg s24  }
0xb1: {  	[dreg:$0x4] =	wrdreg s18  }
0xb2: {  	[dreg:$0x5] =	wrdreg $0x0  }
0xb3: {  	[dreg:$0x6] =	wrdreg $0x9  }
0xb4: {  	_ =	task.clear_ibuf [dreg:s8], $0x7FFFF;
	_ =	strace $0x90000046  }
0xb5: {  	s29 =	simm.s32 $0x9;
	_ =	strace $0x80000048  }
0xb6: {  	_ =	swait.ge [sflag:s29], $0x1  }
0xb7: {  	[sflag:s29] =	ssyncadd.s32 $0xFFFFFFFF  }
0xb8: {  	_ =	strace $0x90000048  }
0xb9: {  	_ =	sfence  }
0xba: {  	s30 =	sld [smem:$0x0];
	_ =	sdelay $0x2  }
0xbb: {  	s31 =	sshll.u32 s1, $0xD;
	s1 =	sshrl.u32 s1, $0x2  }
0xbc: {  	s3 =	sand.u32 $0x4000, s31;
	s1 =	sadd.s32 s1, s30  }
0xbd: {  	s0 =	sor.u32 s3, s0;
	s1 =	sshll.u32 s1, $0x11  }
0xbe: {  	s0 =	sor.u32 s1, s0  }
0xbf: {  	s0 =	sadd.s32 $0x8F2B, s0  }
0xc0: {  	[sflag:s0] =	ssyncadd.remote.s32 $0x1  }
0xc1: {  	_ =	sfence.sel $0xFFFF  }
0xc2: {  	[dreg:$0x0] =	wrdreg $0xFFFFFFFF;
	(pc) =	sbr.abs _section_cstart, $3  }
0xc3: {  	[dreg:$0x1] =	wrdreg $0xFFFFFFFF  }
0xc4: {  	_ =	task.clear_ibuf [dreg:s8], $0x2FFFF;
	_ =	strace $0x9FFFFFFF  }
0xc5: {  	(tm) =	ssettm $0x7FFFFFFF  }
tec
execute0_lowered:
.L_overlay_start_1:
0x0: {  	(tag) =	ssettag $0x1  }
0x1: {  	s0 =	rddreg [dreg:$0x0]  }
0x2: {  	s1 =	rddreg [dreg:$0x1]  }
0x3: {  	s2 =	srdreg.scid;
	s3 =	rddreg [dreg:$0x2]  }
0x4: {  	s4 =	rddreg [dreg:$0x3];
	s20 =	stileid.u32;
	s5 =	simm.s32 $0x0  }
0x5: {  	s28 =	simm.s32 $0x16880;
	s29 =	simm.s32 $0x16900;
	s30 =	simm.s32 $0x16980  }
0x6: {  	s31 =	simm.s32 $0x1;
	s2 =	sand.u32 $0x1, s2;
	[smem:$0x7FF] =	sst s5  }
0x7: {  	s8 =	sshll.u32 s20, $0x7;
	s9 =	sadd.s32 $0xC400, s1;
	s21 =	smul.u32 $0x50000, s20  }
0x8: {  	s19 =	sadd.s32 $0xBE00, s1;
	s14 =	smul.u32 $0x14000, s20;
	s15 =	sadd.s32 $0x16C00, s1  }
0x9: {  	s6 =	sshll.u32 s2, $0x4;
	_ =	strace $0x80000047;
	[dreg:$0x5] =	wrdreg s9  }
0xa: {  	s8 =	sand.u32 $0x380, s8;
	[dreg:$0x6] =	wrdreg s19;
	s19 =	smul.u32 $0x140000, s2  }
0xb: {  	s22 =	ssub.s32 $0x2, s2;
	s2 =	smul.u32 $0x5000, s2;
	s6 =	sor.u32 s20, s6  }
0xc: {  	s23 =	sshrl.u32 s22, $0x1;
	s16 =	sadd.s32 $0x4000, s14;
	s24 =	sadd.s32 $0x8000, s14  }
0xd: {  	s17 =	sadd.s32 $0xC000, s14;
	s18 =	sadd.s32 $0x10000, s14;
	s6 =	sshrl.u32 s6, $0x3  }
0xe: {  	s10 =	sadd.s32 s16, s4;
	s11 =	sadd.s32 s24, s4;
	s12 =	sadd.s32 s17, s4  }
0xf: {  	s13 =	sadd.s32 s18, s4;
	s26 =	sadd.s32 s19, s16;
	s7 =	smul.u32 $0x14000, s6  }
0x10: {  	s25 =	sadd.s32 s14, s19;
	s6 =	sadd.s32 $0x1E00, s1;
	s14 =	sshrl.u32 s26, $0x3  }
0x11: {  	s16 =	sadd.s32 s15, s14;
	s7 =	sor.u32 s8, s7;
	s8 =	sshrl.u32 s21, $0x2  }
0x12: {  	[dreg:$0x9] =	wrdreg s16;
	s7 =	sshrl.u32 s7, $0x3;
	s9 =	sadd.s32 s8, s4  }
0x13: {  	s8 =	sadd.s32 s19, s24;
	s24 =	smul.u32 $0x500, s20;
	s1 =	sadd.s32 s7, s1  }
0x14: {  	s7 =	ssub.s32 s22, s23;
	s21 =	sshrl.u32 s8, $0x3;
	s22 =	sadd.s32 s19, s17  }
0x15: {  	s23 =	sadd.s32 s19, s18;
	s1 =	sadd.s32 $0xCC00, s1;
	s8 =	sshrl.u32 s22, $0x3  }
0x16: {  	s14 =	sshrl.u32 s23, $0x3;
	s20 =	smax.u32 s7, $0x1;
	s22 =	simm.s32 $0x14000  }
0x17: {  	s23 =	simm.s32 $0x6;
	s7 =	simm.s32 $0x3;
	[dreg:$0x7] =	wrdreg s1  }
0x18: {  	s1 =	sshrl.u32 s25, $0x3;
	s25 =	sadd.s32 s15, s8;
	s26 =	sadd.s32 s15, s14  }
0x19: {  	s8 =	simm.s32 $0x4;
	s14 =	simm.s32 $0x5;
	[dreg:$0xb] =	wrdreg s25  }
0x1a: {  	s1 =	sadd.s32 s15, s1;
	[dreg:$0xc] =	wrdreg s26;
	s25 =	simm.s32 $0x2  }
0x1b: {  	s26 =	simm.s32 $0x16800;
	[dreg:$0x8] =	wrdreg s1;
	s1 =	sadd.s32 s15, s21  }
0x1c: {  	s21 =	sadd.s32 s24, s2;
	s24 =	simm.s32 $0x16A00;
	s2 =	simm.s32 $0x1AA00  }
0x1d: {  	v0 =	vimm.f32 $1.000000000e+00;
	s15 =	simm.s32 $0x0;
	[dreg:$0xa] =	wrdreg s1;
	s1 =	simm.s32 $0x80  }
.LBB2_1:
0x1e: {  	s16 =	rddreg [dreg:$0x6]  }
0x1f: {  	[tilespmem:s22], [sflag:$0x6] =	stream.linear.gather [hbm4b:s16+s5], $0x2800, $0x38;
	[tilespmem:$0x1EA00] =	vst v63  }
0x20: {  	_ =	swait.ge [sflag:s23], $0x2800  }
0x21: {  	[sflag:s23] =	ssyncset.done $0x0  }
0x22: {  	s19 =	rddreg [dreg:$0x5];
	[sflag:s23] =	ssyncadd.s32 $0xFFFFD800  }
0x23: {  	[tilespmem:s24], [sflag:$0x6] =	stream.linear.gather [hbm4b:s19+s5], $0x4000, $0x38;
	[tilespmem:$0x1EA00] =	vst v63  }
0x24: {  	_ =	swait.ge [sflag:s23], $0x4000  }
0x25: {  	[sflag:s23] =	ssyncset.done $0x0  }
0x26: {  	[sflag:s23] =	ssyncadd.s32 $0xFFFFC000  }
0x27: {  	[spmem:s9] =	stream.linear.scatter [tilespmem:s24], [sflag:$0x2], $0x4000, $0x38;
	[tilespmem:$0x1EA00] =	vst v63  }
0x28: {  	_ = 	snop  }
0x29: {  	[spmem:s10] =	stream.linear.scatter [tilespmem:s24], [sflag:$0x2], $0x4000, $0x38;
	[tilespmem:$0x1EA00] =	vst v63  }
0x2a: {  	_ = 	snop  }
0x2b: {  	[spmem:s11] =	stream.linear.scatter [tilespmem:s24], [sflag:$0x2], $0x4000, $0x38;
	[tilespmem:$0x1EA00] =	vst v63  }
0x2c: {  	_ = 	snop  }
0x2d: {  	[spmem:s12] =	stream.linear.scatter [tilespmem:s24], [sflag:$0x2], $0x4000, $0x38;
	[tilespmem:$0x1EA00] =	vst v63  }
0x2e: {  	_ = 	snop  }
0x2f: {  	[spmem:s13] =	stream.linear.scatter [tilespmem:s24], [sflag:$0x2], $0x4000, $0x38;
	[tilespmem:$0x1EA00] =	vst v63  }
0x30: {  	_ =	swait.ge [sflag:s25], $0x4000  }
0x31: {  	[sflag:s25] =	ssyncset.done $0x0  }
0x32: {  	[sflag:s25] =	ssyncadd.s32 $0xFFFFC000  }
0x33: {  	_ =	swait.ge [sflag:s25], $0x4000  }
0x34: {  	[sflag:s25] =	ssyncset.done $0x0  }
0x35: {  	[sflag:s25] =	ssyncadd.s32 $0xFFFFC000  }
0x36: {  	_ =	swait.ge [sflag:s25], $0x4000  }
0x37: {  	[sflag:s25] =	ssyncset.done $0x0  }
0x38: {  	[sflag:s25] =	ssyncadd.s32 $0xFFFFC000  }
0x39: {  	_ =	swait.ge [sflag:s25], $0x4000  }
0x3a: {  	[sflag:s25] =	ssyncset.done $0x0  }
0x3b: {  	[sflag:s25] =	ssyncadd.s32 $0xFFFFC000  }
0x3c: {  	_ =	swait.ge [sflag:s25], $0x4000  }
0x3d: {  	[sflag:s25] =	ssyncset.done $0x0  }
0x3e: {  	[sflag:s25] =	ssyncadd.s32 $0xFFFFC000  }
0x3f: {  	s16 =	simm.s32 $0x0;
	[bflag:$0x0] =	sbarrier.arrive $0xFFFF  }
.LBB2_2:
0x40: {  	p0 =	seq.s32 s16, $0x0  }
0x41: {  	s17 =	simm.s32 @!p0 $0x4  }
0x42: {  	_ =	swait.ge @!p0 [sflag:s17], $0x4000  }
0x43: {  	[sflag:s17] =	ssyncset.done @!p0 $0x0  }
0x44: {  	s18 =	sadd.s32 s16, s21;
	[sflag:s17] =	ssyncadd.s32 @!p0 $0xFFFFC000;
	s17 =	simm.s32 @!p0 $0x5  }
0x45: {  	s19 =	sand.u32 $0x60, s16;
	s18 =	sand.u32 $0x1FF80, s18;
	_ =	swait.ge @!p0 [sflag:s17], $0x4000  }
0x46: {  	s18 =	sor.u32 s19, s18;
	[sflag:s17] =	ssyncset.done @!p0 $0x0  }
0x47: {  	s19 =	sadd.s32 s6, s18;
	[sflag:s17] =	ssyncadd.s32 @!p0 $0xFFFFC000;
	s17 =	sor.u32 $0x10, s18  }
0x48: {  	[tilespmem:s26], [sflag:$0x1] =	stream.linear.gather [hbm4b:s19+s5], $0x80, $0x38;
	[tilespmem:$0x1EA00] =	vst v63  }
0x49: {  	s19 =	sadd.s32 s6, s17  }
0x4a: {  	[tilespmem:s28], [sflag:$0x1] =	stream.linear.gather [hbm4b:s19+s5], $0x80, $0x38;
	[tilespmem:$0x1EA00] =	vst v63  }
0x4b: {  	s18 =	sadd.s32 s3, s18  }
0x4c: {  	[tilespmem:s29], [sflag:$0x1] =	stream.linear.gather [hbm4b:s18+s5], $0x80, $0x38;
	[tilespmem:$0x1EA00] =	vst v63  }
0x4d: {  	s17 =	sadd.s32 s3, s17  }
0x4e: {  	[tilespmem:s30], [sflag:$0x1] =	stream.linear.gather [hbm4b:s17+s5], $0x80, $0x38;
	[tilespmem:$0x1EA00] =	vst v63  }
0x4f: {  	_ =	swait.ge [sflag:s31], $0x80  }
0x50: {  	[sflag:s31] =	ssyncset.done $0x0  }
0x51: {  	[sflag:s31] =	ssyncadd.s32 $0xFFFFFF80  }
0x52: {  	_ =	swait.ge [sflag:s31], $0x80  }
0x53: {  	[sflag:s31] =	ssyncset.done $0x0  }
0x54: {  	[sflag:s31] =	ssyncadd.s32 $0xFFFFFF80  }
0x55: {  	_ =	swait.ge [sflag:s31], $0x80  }
0x56: {  	[sflag:s31] =	ssyncset.done $0x0  }
0x57: {  	[sflag:s31] =	ssyncadd.s32 $0xFFFFFF80  }
0x58: {  	_ =	swait.ge [sflag:s31], $0x80  }
0x59: {  	[sflag:s31] =	ssyncset.done $0x0  }
0x5a: {  	[sflag:s31] =	ssyncadd.s32 $0xFFFFFF80  }
0x5b: {  	[tilespmem:s24], [sflag:$0x2] =	stream.indirect.gather [hbm4b:s0+s1], $0x80, s26, s1, $0xb8;
	[tilespmem:$0x1EA00] =	vst v63  }
0x5c: {  	_ = 	snop  }
0x5d: {  	[tilespmem:s2], [sflag:$0x3] =	stream.indirect.gather [hbm4b:s0+s1], $0x80, s28, s1, $0xb8;
	[tilespmem:$0x1EA00] =	vst v63  }
0x5e: {  	v1 =	vld [tilespmem:$0x16900];
	_ =	sdelay $0x7  }
0x5f: {  	[tilespmem:v1+s22+$0x0] =	vst.idx.add.f32.msk $0xffff, v0  }
0x60: {  	v1 =	vld [tilespmem:$0x16980];
	_ =	sdelay $0x7  }
0x61: {  	[tilespmem:v1+s22+$0x0] =	vst.idx.add.f32.msk $0xffff, v0  }
0x62: {  	v1 =	vld [tilespmem:$0x16910];
	_ =	sdelay $0x7  }
0x63: {  	[tilespmem:v1+s22+$0x0] =	vst.idx.add.f32.msk $0xffff, v0  }
0x64: {  	v1 =	vld [tilespmem:$0x16990];
	_ =	sdelay $0x7  }
0x65: {  	[tilespmem:v1+s22+$0x0] =	vst.idx.add.f32.msk $0xffff, v0  }
0x66: {  	v1 =	vld [tilespmem:$0x16920];
	_ =	sdelay $0x7  }
0x67: {  	[tilespmem:v1+s22+$0x0] =	vst.idx.add.f32.msk $0xffff, v0  }
0x68: {  	v1 =	vld [tilespmem:$0x169A0];
	_ =	sdelay $0x7  }
0x69: {  	[tilespmem:v1+s22+$0x0] =	vst.idx.add.f32.msk $0xffff, v0  }
0x6a: {  	v1 =	vld [tilespmem:$0x16930];
	_ =	sdelay $0x7  }
0x6b: {  	[tilespmem:v1+s22+$0x0] =	vst.idx.add.f32.msk $0xffff, v0  }
0x6c: {  	v1 =	vld [tilespmem:$0x169B0];
	_ =	sdelay $0x7  }
0x6d: {  	[tilespmem:v1+s22+$0x0] =	vst.idx.add.f32.msk $0xffff, v0  }
0x6e: {  	v1 =	vld [tilespmem:$0x16940];
	_ =	sdelay $0x7  }
0x6f: {  	[tilespmem:v1+s22+$0x0] =	vst.idx.add.f32.msk $0xffff, v0  }
0x70: {  	v1 =	vld [tilespmem:$0x169C0];
	_ =	sdelay $0x7  }
0x71: {  	[tilespmem:v1+s22+$0x0] =	vst.idx.add.f32.msk $0xffff, v0  }
0x72: {  	v1 =	vld [tilespmem:$0x16950];
	_ =	sdelay $0x7  }
0x73: {  	[tilespmem:v1+s22+$0x0] =	vst.idx.add.f32.msk $0xffff, v0  }
0x74: {  	v1 =	vld [tilespmem:$0x169D0];
	_ =	sdelay $0x7  }
0x75: {  	[tilespmem:v1+s22+$0x0] =	vst.idx.add.f32.msk $0xffff, v0  }
0x76: {  	v1 =	vld [tilespmem:$0x16960];
	_ =	sdelay $0x7  }
0x77: {  	[tilespmem:v1+s22+$0x0] =	vst.idx.add.f32.msk $0xffff, v0  }
0x78: {  	v1 =	vld [tilespmem:$0x169E0];
	_ =	sdelay $0x7  }
0x79: {  	[tilespmem:v1+s22+$0x0] =	vst.idx.add.f32.msk $0xffff, v0  }
0x7a: {  	v1 =	vld [tilespmem:$0x16970];
	_ =	sdelay $0x7  }
0x7b: {  	[tilespmem:v1+s22+$0x0] =	vst.idx.add.f32.msk $0xffff, v0  }
0x7c: {  	v1 =	vld [tilespmem:$0x169F0];
	_ =	sdelay $0x7  }
0x7d: {  	[tilespmem:v1+s22+$0x0] =	vst.idx.add.f32.msk $0xffff, v0  }
0x7e: {  	_ =	swait.ge [sflag:s25], $0x4000  }
0x7f: {  	s16 =	sadd.s32 $0x20, s16;
	[sflag:s25] =	ssyncset.done $0x0  }
0x80: {  	p0 =	sne.s32 s16, $0x500;
	[sflag:s25] =	ssyncadd.s32 $0xFFFFC000  }
0x81: {  	[spmem:s4] =	stream.indirect.scatter.add.f32 [tilespmem:s24], [sflag:$0x4], $0x80, s29, s1, $0xb8;
	[tilespmem:$0x1EA00] =	vst v63  }
.Ltmp0:
0x82: {  	_ = 	snop;
	(pc) =	sbr.rel @p0 .LBB2_2-.Ltmp0, $4  }
0x83: {  	_ =	swait.ge [sflag:s7], $0x4000  }
0x84: {  	[sflag:s7] =	ssyncset.done $0x0  }
0x85: {  	[sflag:s7] =	ssyncadd.s32 $0xFFFFC000  }
0x86: {  	[spmem:s4] =	stream.indirect.scatter.add.f32 [tilespmem:s2], [sflag:$0x5], $0x80, s30, s1, $0xb8;
	[tilespmem:$0x1EA00] =	vst v63  }
0x87: {  	_ =	swait.ge [sflag:s8], $0x4000  }
0x88: {  	[sflag:s8] =	ssyncset.done $0x0  }
0x89: {  	[sflag:s8] =	ssyncadd.s32 $0xFFFFC000  }
0x8a: {  	_ =	swait.ge [sflag:s14], $0x4000  }
0x8b: {  	[sflag:s14] =	ssyncset.done $0x0  }
0x8c: {  	[sflag:s14] =	ssyncadd.s32 $0xFFFFC000  }
0x8d: {  	[bflag:$0x0] =	sbarrier.arrive $0xFFFF  }
0x8e: {  	s17 =	simm.s32 $0x400;
	s16 =	rddreg [dreg:$0x7]  }
0x8f: {  	[hbm4b:s16+s1] =	stream.strided.scatter [tilespmem:s22], [sflag:$0x1], $0x2800, s17, s1, $0x38;
	[tilespmem:$0x1EA00] =	vst v63  }
0x90: {  	_ = 	snop  }
0x91: {  	[tilespmem:s24], [sflag:$0x2] =	stream.linear.gather [spmem:s9], $0x4000, $0x38;
	[tilespmem:$0x1EA00] =	vst v63  }
0x92: {  	_ =	swait.ge [sflag:s25], $0x4000  }
0x93: {  	[sflag:s25] =	ssyncset.done $0x0  }
0x94: {  	s18 =	rddreg [dreg:$0x8];
	[sflag:s25] =	ssyncadd.s32 $0xFFFFC000  }
0x95: {  	[hbm4b:s18+s5] =	stream.linear.scatter [tilespmem:s24], [sflag:$0x4], $0x4000, $0x38;
	[tilespmem:$0x1EA00] =	vst v63  }
0x96: {  	_ = 	snop  }
0x97: {  	[tilespmem:s2], [sflag:$0x3] =	stream.linear.gather [spmem:s10], $0x4000, $0x38;
	[tilespmem:$0x1EA00] =	vst v63  }
0x98: {  	_ =	swait.ge [sflag:s7], $0x4000  }
0x99: {  	[sflag:s7] =	ssyncset.done $0x0  }
0x9a: {  	s19 =	rddreg [dreg:$0x9];
	[sflag:s7] =	ssyncadd.s32 $0xFFFFC000  }
0x9b: {  	[hbm4b:s19+s5] =	stream.linear.scatter [tilespmem:s2], [sflag:$0x5], $0x4000, $0x38;
	[tilespmem:$0x1EA00] =	vst v63  }
0x9c: {  	_ =	swait.ge [sflag:s8], $0x4000  }
0x9d: {  	[sflag:s8] =	ssyncset.done $0x0  }
0x9e: {  	[sflag:s8] =	ssyncadd.s32 $0xFFFFC000  }
0x9f: {  	[tilespmem:s24], [sflag:$0x2] =	stream.linear.gather [spmem:s11], $0x4000, $0x38;
	[tilespmem:$0x1EA00] =	vst v63  }
0xa0: {  	_ =	swait.ge [sflag:s25], $0x4000  }
0xa1: {  	[sflag:s25] =	ssyncset.done $0x0  }
0xa2: {  	s17 =	rddreg [dreg:$0xa];
	[sflag:s25] =	ssyncadd.s32 $0xFFFFC000  }
0xa3: {  	[hbm4b:s17+s5] =	stream.linear.scatter [tilespmem:s24], [sflag:$0x4], $0x4000, $0x38;
	[tilespmem:$0x1EA00] =	vst v63  }
0xa4: {  	_ =	swait.ge [sflag:s14], $0x4000  }
0xa5: {  	[sflag:s14] =	ssyncset.done $0x0  }
0xa6: {  	[sflag:s14] =	ssyncadd.s32 $0xFFFFC000  }
0xa7: {  	[tilespmem:s2], [sflag:$0x3] =	stream.linear.gather [spmem:s12], $0x4000, $0x38;
	[tilespmem:$0x1EA00] =	vst v63  }
0xa8: {  	_ =	swait.ge [sflag:s7], $0x4000  }
0xa9: {  	[sflag:s7] =	ssyncset.done $0x0  }
0xaa: {  	s18 =	rddreg [dreg:$0xb];
	[sflag:s7] =	ssyncadd.s32 $0xFFFFC000  }
0xab: {  	[hbm4b:s18+s5] =	stream.linear.scatter [tilespmem:s2], [sflag:$0x5], $0x4000, $0x38;
	[tilespmem:$0x1EA00] =	vst v63  }
0xac: {  	_ =	swait.ge [sflag:s8], $0x4000  }
0xad: {  	[sflag:s8] =	ssyncset.done $0x0  }
0xae: {  	[sflag:s8] =	ssyncadd.s32 $0xFFFFC000  }
0xaf: {  	[tilespmem:s24], [sflag:$0x2] =	stream.linear.gather [spmem:s13], $0x4000, $0x38;
	[tilespmem:$0x1EA00] =	vst v63  }
0xb0: {  	_ =	swait.ge [sflag:s25], $0x4000  }
0xb1: {  	[sflag:s25] =	ssyncset.done $0x0  }
0xb2: {  	s19 =	rddreg [dreg:$0xc];
	[sflag:s25] =	ssyncadd.s32 $0xFFFFC000  }
0xb3: {  	[hbm4b:s19+s5] =	stream.linear.scatter [tilespmem:s24], [sflag:$0x4], $0x4000, $0x38;
	[tilespmem:$0x1EA00] =	vst v63  }
0xb4: {  	_ =	swait.ge [sflag:s14], $0x4000  }
0xb5: {  	[sflag:s14] =	ssyncset.done $0x0  }
0xb6: {  	s15 =	sadd.s32 $0x1, s15;
	[sflag:s14] =	ssyncadd.s32 $0xFFFFC000  }
0xb7: {  	p0 =	sne.s32 s15, s20;
	_ =	swait.ge [sflag:s8], $0x4000  }
.Ltmp1:
0xb8: {  	[sflag:s8] =	ssyncset.done $0x0;
	(pc) =	sbr.rel @p0 .LBB2_1-.Ltmp1, $4  }
0xb9: {  	[sflag:s8] =	ssyncadd.s32 $0xFFFFC000  }
0xba: {  	_ =	swait.ge [sflag:s31], $0x2800  }
0xbb: {  	[sflag:s31] =	ssyncset.done $0x0  }
0xbc: {  	[sflag:s31] =	ssyncadd.s32 $0xFFFFD800  }
0xbd: {  	_ =	sfence.sel $0x180000  }
0xbe: {  	[bflag:$0x0] =	sbarrier.arrive $0xFFFF  }
0xbf: {  	_ =	strace $0x90000047  }
0xc0: {  	s0 =	stileid.u32;
	[bflag:$0x2] =	sbarrier.arrive $0xFFFF  }
0xc1: {  	p0 =	sne.s32 s0, $0x0;
	s0 =	rddreg [dreg:$0x4]  }
0xc2: {  	s0 =	sadd.s32 @!p0 $0x100000, s0  }
0xc3: {  	[sflag:s0] =	ssyncadd.tile.s32 @!p0 $0x1;
	_ =	shalt  }
.Lfunc_end2:
_tile_overlayer_lowered:
.L_overlay_start_2:
0xc4: {  	(tag) =	ssettag $0x2  }
0xc5: {  	s0 =	rddreg [dreg:$0x0];
	s2 =	stileid.u32  }
0xc6: {  	s1 =	rddreg [dreg:$0x1];
	p0 =	sne.s32 s2, $0x0  }
0xc7: {  	s3 =	rddreg [dreg:$0x2];
	[bflag:$0x3] =	sbarrier.arrive $0xFFFF;
	s2 =	simm.s32 @!p0 $0x1C06  }
0xc8: {  	[timem:s3], [sflag:s2] =	dma.local @!p0 [hbm:s0], s1  }
0xc9: {  	s0 =	simm.s32 @!p0 $0x6  }
0xca: {  	_ =	swait.ge @!p0 [sflag:s0], s1  }
0xcb: {  	s1 =	ssub.s32 @!p0 $0x0, s1;
	[sflag:s0] =	ssyncset.done @!p0 $0x0  }
0xcc: {  	[sflag:s0] =	ssyncadd.s32 @!p0 s1  }
0xcd: {  	[bflag:$0x3] =	sbarrier.arrive $0xFFFF  }
0xce: {  	_ =	shalt  }

// kernel: kernel.9.cloned.1.call-start
scs
__scs_entry_jumppad:
0x0: {  	(pc) =	sbr.rel $0x88, $3  }
0x1: {  	(tag) =	ssettag $0x0;
	lr =	simm.s32 $0x1  }
0x2: {  	[smem:$0x3F98] =	sst lr;
	_ =	strace $0xD0000000  }
0x3: {  	_ = 	snop  }
0x4: {  	_ = 	snop  }
0x5: {  	_ = 	snop  }
0x6: {  	_ = 	snop  }
0x7: {  	_ = 	snop  }
__scs_overlays_trampoline_lowered:
0x8: {  	[smem:$0x3FA7] =	sst s0  }
0x9: {  	[smem:$0x3FA8] =	sst s1  }
0xa: {  	[smem:$0x3FA9] =	sst s2  }
0xb: {  	[smem:$0x3FAA] =	sst s3  }
0xc: {  	[smem:$0x3FAB] =	sst s4  }
0xd: {  	[smem:$0x3FAC] =	sst s5  }
0xe: {  	[smem:$0x3FAD] =	sst s6  }
0xf: {  	[smem:$0x3FAE] =	sst s7  }
0x10: {  	[smem:$0x3FAF] =	sst s8  }
0x11: {  	[smem:$0x3FB0] =	sst s9;
	s0 =	simm.s32 @!p0 $0x0  }
0x12: {  	s1 =	sld [smem:$0x3F96];
	s0 =	simm.s32 @p0 $0x1  }
0x13: {  	[smem:$0x3FB1] =	sst s0;
	s0 =	simm.s32 @!p1 $0x0  }
0x14: {  	s2 =	sld [smem:$0x3F95];
	s0 =	simm.s32 @p1 $0x1  }
0x15: {  	[smem:$0x3FB2] =	sst s0;
	s0 =	simm.s32 @!p2 $0x0  }
0x16: {  	s3 =	sld [smem:$0x3FDB];
	s0 =	simm.s32 @p2 $0x1  }
0x17: {  	s4 =	simm.s32 $0x1BF5;
	[smem:$0x3FB4] =	sst s0  }
0x18: {  	s0 =	sld [smem:$0x3F97];
	_ =	swait.ge [sflag:s4], $0x0  }
0x19: {  	s7 =	sld [smem:$0x3F98]  }
0x1a: {  	s8 =	sadd.s32 $0xFFFFE003, lr  }
0x1b: {  	s9 =	sadd.s32 $0xFFFFFEF7, lr;
	s5 =	simm.s32 $0xFFFFFFFF;
	p2 =	slt.u32 s8, $0xFFFFF086  }
0x1c: {  	p1 =	slt.u32 s9, $0xF7A;
	s5 =	simm.s32 @!p2 $0x0  }
0x1d: {  	s5 =	simm.s32 @p1 $0x1;
	p0 =	seq.s32 s7, s2  }
0x1e: {  	s7 =	smul.u32 @!p0 $0xF7A, s2;
	p2 =	seq.s32 @!p0 s5, $0x0  }
0x1f: {  	s9 =	smul.u32 $0xF7A, s1;
	s8 =	simm.s32 @!p0 $0x1BF5;
	p2 =	por !p2, p0  }
0x20: {  	[sflag:s8] =	ssyncset.s32 @!p0 $0xFFFFF086;
	s6 =	sadd.s32 @!p0 s3, s7;
	s7 =	simm.s32 @!p0 $0x108  }
0x21: {  	s3 =	sadd.s32 s3, s9;
	s6 =	sadd.s32 @!p0 $0x88, s6;
	s7 =	simm.s32 @p2 $0x1082  }
0x22: {  	[simem:s7], [sflag:s8] =	dma.local @!p0 [hbm:s6], $0xF7A  }
0x23: {  	s9 =	sor.u32 $0xD0000000, s2;
	s6 =	simm.s32 $0x108;
	_ =	swait.ge @!p0 [sflag:s8], $0x0  }
0x24: {  	s3 =	sadd.s32 $0x88, s3;
	s6 =	simm.s32 @!p1 $0x1082;
	[sflag:s4] =	ssyncset.s32 $0xFFFFF086  }
0x25: {  	[simem:s6], [sflag:s4] =	dma.local [hbm:s3], $0xF7A  }
0x26: {  	[smem:$0x3F98] =	sst s1;
	(tag) =	ssettag s2;
	_ =	strace s9  }
0x27: {  	s1 =	sld [smem:$0x3FA8]  }
0x28: {  	s2 =	sld [smem:$0x3FA9]  }
0x29: {  	s4 =	sld [smem:$0x3FAB]  }
0x2a: {  	p0 =	seq.s32 s5, $0x0;
	s5 =	sld [smem:$0x3FAC]  }
0x2b: {  	s6 =	sld [smem:$0x3FAD]  }
0x2c: {  	s7 =	sld [smem:$0x3FAE]  }
0x2d: {  	s3 =	simm.s32 $0x108;
	s8 =	sld [smem:$0x3FAF]  }
0x2e: {  	s3 =	simm.s32 @!p0 $0x1082;
	s9 =	sld [smem:$0x3FB0]  }
0x2f: {  	lr =	sadd.s32 s0, s3;
	s0 =	sld [smem:$0x3FA7]  }
0x30: {  	s3 =	sld [smem:$0x3FAA]  }
0x31: {  	[smem:$0x3FB3] =	sst s10  }
0x32: {  	s10 =	sld [smem:$0x3FB1];
	_ =	sdelay $0x3  }
0x33: {  	p0 =	seq.s32 s10, $0x1;
	s10 =	sld [smem:$0x3FB3];
	_ =	sdelay $0x3  }
0x34: {  	[smem:$0x3FB3] =	sst s10  }
0x35: {  	s10 =	sld [smem:$0x3FB2];
	_ =	sdelay $0x3  }
0x36: {  	p1 =	seq.s32 s10, $0x1;
	s10 =	sld [smem:$0x3FB3];
	_ =	sdelay $0x3  }
0x37: {  	[smem:$0x3FB3] =	sst s10  }
0x38: {  	s10 =	sld [smem:$0x3FB4]  }
0x39: {  	_ = 	snop;
	(pc) =	sbr.ind lr, $3  }
0x3a: {  	_ = 	snop  }
0x3b: {  	_ = 	snop  }
0x3c: {  	p2 =	seq.s32 s10, $0x1;
	s10 =	sld [smem:$0x3FB3]  }
0x3d: {  	_ =	shalt  }
0x3e: {  	_ =	shalt  }
0x3f: {  	_ =	shalt  }
0x40: {  	_ =	shalt  }
0x41: {  	_ =	shalt  }
0x42: {  	_ =	shalt  }
0x43: {  	_ =	shalt  }
0x44: {  	_ =	shalt  }
0x45: {  	_ =	shalt  }
0x46: {  	_ =	shalt  }
0x47: {  	_ =	shalt  }
0x48: {  	_ =	shalt  }
0x49: {  	_ =	shalt  }
0x4a: {  	_ =	shalt  }
0x4b: {  	_ =	shalt  }
0x4c: {  	_ =	shalt  }
0x4d: {  	_ =	shalt  }
0x4e: {  	_ =	shalt  }
0x4f: {  	_ =	shalt  }
0x50: {  	_ =	shalt  }
0x51: {  	_ =	shalt  }
0x52: {  	_ =	shalt  }
0x53: {  	_ =	shalt  }
0x54: {  	_ =	shalt  }
0x55: {  	_ =	shalt  }
0x56: {  	_ =	shalt  }
0x57: {  	_ =	shalt  }
0x58: {  	_ =	shalt  }
0x59: {  	_ =	shalt  }
0x5a: {  	_ =	shalt  }
0x5b: {  	_ =	shalt  }
0x5c: {  	_ =	shalt  }
0x5d: {  	_ =	shalt  }
0x5e: {  	_ =	shalt  }
0x5f: {  	_ =	shalt  }
0x60: {  	_ =	shalt  }
0x61: {  	_ =	shalt  }
0x62: {  	_ =	shalt  }
0x63: {  	_ =	shalt  }
0x64: {  	_ =	shalt  }
0x65: {  	_ =	shalt  }
0x66: {  	_ =	shalt  }
0x67: {  	_ =	shalt  }
0x68: {  	_ =	shalt  }
0x69: {  	_ =	shalt  }
0x6a: {  	_ =	shalt  }
0x6b: {  	_ =	shalt  }
0x6c: {  	_ =	shalt  }
0x6d: {  	_ =	shalt  }
0x6e: {  	_ =	shalt  }
0x6f: {  	_ =	shalt  }
0x70: {  	_ =	shalt  }
0x71: {  	_ =	shalt  }
0x72: {  	_ =	shalt  }
0x73: {  	_ =	shalt  }
0x74: {  	_ =	shalt  }
0x75: {  	_ =	shalt  }
0x76: {  	_ =	shalt  }
0x77: {  	_ =	shalt  }
0x78: {  	_ =	shalt  }
0x79: {  	_ =	shalt  }
0x7a: {  	_ =	shalt  }
0x7b: {  	_ =	shalt  }
0x7c: {  	_ =	shalt  }
0x7d: {  	_ =	shalt  }
0x7e: {  	_ =	shalt  }
0x7f: {  	_ =	shalt  }
0x80: {  	_ =	shalt  }
0x81: {  	_ =	shalt  }
0x82: {  	_ =	shalt  }
0x83: {  	_ =	shalt  }
0x84: {  	_ =	shalt  }
0x85: {  	_ =	shalt  }
0x86: {  	_ =	shalt  }
0x87: {  	_ =	shalt  }
.Lfunc_end0:
.L_simem_size_0:
called_computation.1_lowered:
.L_overlay_start_0:
0x88: {  	s2 =	sld [smem:$0x3FD9]  }
0x89: {  	s3 =	sld [smem:$0x3FFE];
	_ =	sdelay $0x1  }
0x8a: {  	s1 =	srdreg.scid  }
0x8b: {  	s0 =	sand.u32 $0x1, s1  }
0x8c: {  	s17 =	sshll.u32 s0, $0xA;
	s2 =	sadd.s32 s3, s2  }
0x8d: {  	s2 =	sadd.s32 s2, s17  }
0x8e: {  	[smem:$0x3FBF] =	sst s2  }
0x8f: {  	_ = 	snop  }
0x90: {  	s2 =	sld [smem:$0x3FD0];
	(tm) =	ssettm $0x1  }
0x91: {  	s18 =	sld [smem:$0x3FFB];
	_ =	sdelay $0x3  }
0x92: {  	_ =	strace s18  }
0x93: {  	s3 =	sld [smem:$0x3FFC];
	_ =	sdelay $0x3  }
0x94: {  	_ =	strace s3  }
0x95: {  	s3 =	sld [smem:$0x3FFD];
	_ =	sdelay $0x3  }
0x96: {  	_ =	strace s3  }
0x97: {  	_ =	strace $0x8FFFFFFF  }
0x98: {  	s19 =	sld [smem:$0x3FDB];
	_ =	sdelay $0x1  }
0x99: {  	s4 =	simm.s32 $_scs_section_size  }
0x9a: {  	s5 =	simm.s32 $_size__tile_overlayer_lowered;
	s6 =	simm.s32 $_tile_overlayer_lowered  }
0x9b: {  	s22 =	simm.s32 $0x1BFF;
	s21 =	sshll.u32 s6, $0x1;
	s3 =	sadd.s32 s4, s19  }
0x9c: {  	s7 =	simm.s32 $0x0;
	s20 =	sshll.u32 s5, $0x1;
	s5 =	sadd.s32 s21, s3  }
0x9d: {  	[timem:s7], [sflag:s22] =	dma.local [hbm:s5], s20  }
0x9e: {  	_ =	swait.ge [sflag:s22], s20  }
0x9f: {  	s4 =	ssub.s32 $0x0, s20;
	[sflag:s22] =	ssyncset.done $0x0  }
0xa0: {  	[sflag:s22] =	ssyncadd.s32 s4;
	_ =	sdelay $0x1  }
0xa1: {  	s23 =	simm.s32 $0x1B8B  }
0xa2: {  	_ =	swait.ge [sflag:s23], $0x1  }
0xa3: {  	[sflag:s23] =	ssyncset.done $0x0  }
0xa4: {  	s25 =	simm.s32 $0x1B8E;
	s24 =	sld [smem:$0x3FFE];
	[sflag:s23] =	ssyncadd.s32 $0xFFFFFFFF  }
0xa5: {  	s26 =	simm.s32 $execute0_lowered;
	[smem:$0x3FD2] =	sst s25  }
0xa6: {  	s5 =	sshll.u32 s26, $0x1;
	_ =	strace $0x80000049;
	[dreg:$0x1] =	wrdreg $0xFFFFFFFF  }
0xa7: {  	s28 =	simm.s32 $_size_execute0_lowered;
	s3 =	sadd.s32 s3, s5;
	[dreg:$0x0] =	wrdreg $0x0  }
0xa8: {  	s5 =	sshll.u32 s28, $0x1;
	[dreg:$0x2] =	wrdreg s3  }
0xa9: {  	[dreg:$0x3] =	wrdreg s5  }
0xaa: {  	[dreg:$0x4] =	wrdreg $0xC0  }
0xab: {  	_ =	task [dreg:s7], $0x5FFFF  }
0xac: {  	[dreg:$0x1] =	wrdreg $0xFFFFFFFF  }
0xad: {  	[dreg:$0x0] =	wrdreg $0x60  }
0xae: {  	[dreg:$0x2] =	wrdreg s2  }
0xaf: {  	[dreg:$0x3] =	wrdreg s24  }
0xb0: {  	[dreg:$0x4] =	wrdreg $0x0  }
0xb1: {  	[dreg:$0x5] =	wrdreg $0x9  }
0xb2: {  	_ =	task.clear_ibuf [dreg:s7], $0x6FFFF;
	_ =	strace $0x90000049  }
0xb3: {  	s29 =	simm.s32 $0x9;
	_ =	strace $0x8000004B  }
0xb4: {  	_ =	swait.ge [sflag:s29], $0x1  }
0xb5: {  	[sflag:s29] =	ssyncadd.s32 $0xFFFFFFFF  }
0xb6: {  	_ =	strace $0x9000004B  }
0xb7: {  	_ =	sfence  }
0xb8: {  	s30 =	sld [smem:$0x0];
	_ =	sdelay $0x2  }
0xb9: {  	s31 =	sshll.u32 s1, $0xD;
	s1 =	sshrl.u32 s1, $0x2  }
0xba: {  	s3 =	sand.u32 $0x4000, s31;
	s1 =	sadd.s32 s1, s30  }
0xbb: {  	s0 =	sor.u32 s3, s0;
	s1 =	sshll.u32 s1, $0x11  }
0xbc: {  	s0 =	sor.u32 s1, s0  }
0xbd: {  	s0 =	sadd.s32 $0x8F2B, s0  }
0xbe: {  	[sflag:s0] =	ssyncadd.remote.s32 $0x1  }
0xbf: {  	_ =	sfence.sel $0xFFFF  }
0xc0: {  	[dreg:$0x0] =	wrdreg $0xFFFFFFFF;
	(pc) =	sbr.abs _section_cstart, $3  }
0xc1: {  	[dreg:$0x1] =	wrdreg $0xFFFFFFFF  }
0xc2: {  	_ =	task.clear_ibuf [dreg:s7], $0x2FFFF;
	_ =	strace $0x9FFFFFFF  }
0xc3: {  	(tm) =	ssettm $0x7FFFFFFF  }
tec
execute0_lowered:
.L_overlay_start_1:
0x0: {  	(tag) =	ssettag $0x1  }
0x1: {  	s1 =	rddreg [dreg:$0x0]  }
0x2: {  	s0 =	rddreg [dreg:$0x1]  }
0x3: {  	s2 =	rddreg [dreg:$0x2];
	s3 =	srdreg.scid  }
0x4: {  	s4 =	simm.s32 $0x0;
	s20 =	stileid.u32;
	s28 =	simm.s32 $0x16880  }
0x5: {  	s29 =	simm.s32 $0x16900;
	s30 =	simm.s32 $0x16980;
	s31 =	simm.s32 $0x1  }
0x6: {  	s3 =	sand.u32 $0x1, s3;
	[smem:$0x7FF] =	sst s4;
	s8 =	sshll.u32 s20, $0x7  }
0x7: {  	s9 =	sadd.s32 $0xC400, s0;
	s19 =	sadd.s32 $0xBE00, s0;
	s21 =	smul.u32 $0x50000, s20  }
0x8: {  	s14 =	smul.u32 $0x14000, s20;
	s15 =	sadd.s32 $0xCC00, s0;
	s5 =	sshll.u32 s3, $0x4  }
0x9: {  	_ =	strace $0x8000004A;
	[dreg:$0x4] =	wrdreg s9;
	s8 =	sand.u32 $0x380, s8  }
0xa: {  	[dreg:$0x5] =	wrdreg s19;
	s22 =	ssub.s32 $0x2, s3;
	s19 =	smul.u32 $0x140000, s3  }
0xb: {  	s3 =	smul.u32 $0x5000, s3;
	s5 =	sor.u32 s20, s5;
	s23 =	sshrl.u32 s22, $0x1  }
0xc: {  	s16 =	sadd.s32 $0x4000, s14;
	s24 =	sadd.s32 $0x8000, s14;
	s17 =	sadd.s32 $0xC000, s14  }
0xd: {  	s18 =	sadd.s32 $0x10000, s14;
	s6 =	sshrl.u32 s5, $0x3;
	s5 =	sadd.s32 $0x70C00, s0  }
0xe: {  	s10 =	sadd.s32 s16, s2;
	s11 =	sadd.s32 s24, s2;
	s12 =	sadd.s32 s17, s2  }
0xf: {  	s13 =	sadd.s32 s18, s2;
	s26 =	sadd.s32 s19, s16;
	s7 =	smul.u32 $0x14000, s6  }
0x10: {  	s25 =	sadd.s32 s14, s19;
	s6 =	sadd.s32 $0x66C00, s0;
	s14 =	sshrl.u32 s26, $0x3  }
0x11: {  	s16 =	sadd.s32 s15, s14;
	s7 =	sor.u32 s8, s7;
	s8 =	sshrl.u32 s21, $0x2  }
0x12: {  	[dreg:$0x8] =	wrdreg s16;
	s7 =	sshrl.u32 s7, $0x3;
	s9 =	sadd.s32 s8, s2  }
0x13: {  	s8 =	sadd.s32 s19, s24;
	s24 =	smul.u32 $0x500, s20;
	s0 =	sadd.s32 s7, s0  }
0x14: {  	s7 =	ssub.s32 s22, s23;
	s21 =	sshrl.u32 s8, $0x3;
	s22 =	sadd.s32 s19, s17  }
0x15: {  	s23 =	sadd.s32 s19, s18;
	s0 =	sadd.s32 $0x1E00, s0;
	s8 =	sshrl.u32 s22, $0x3  }
0x16: {  	s14 =	sshrl.u32 s23, $0x3;
	s20 =	smax.u32 s7, $0x1;
	s22 =	simm.s32 $0x14000  }
0x17: {  	s23 =	simm.s32 $0x6;
	s7 =	simm.s32 $0x3;
	[dreg:$0x6] =	wrdreg s0  }
0x18: {  	s0 =	sshrl.u32 s25, $0x3;
	s25 =	sadd.s32 s15, s8;
	s26 =	sadd.s32 s15, s14  }
0x19: {  	s8 =	simm.s32 $0x4;
	s14 =	simm.s32 $0x5;
	[dreg:$0xa] =	wrdreg s25  }
0x1a: {  	s0 =	sadd.s32 s15, s0;
	[dreg:$0xb] =	wrdreg s26;
	s25 =	simm.s32 $0x2  }
0x1b: {  	s26 =	simm.s32 $0x16800;
	[dreg:$0x7] =	wrdreg s0;
	s0 =	sadd.s32 s15, s21  }
0x1c: {  	s21 =	sadd.s32 s24, s3;
	s24 =	simm.s32 $0x16A00;
	s3 =	simm.s32 $0x1AA00  }
0x1d: {  	v0 =	vimm.f32 $1.000000000e+00;
	s15 =	simm.s32 $0x0;
	[dreg:$0x9] =	wrdreg s0;
	s0 =	simm.s32 $0x80  }
.LBB2_1:
0x1e: {  	s16 =	rddreg [dreg:$0x5]  }
0x1f: {  	[tilespmem:s22], [sflag:$0x6] =	stream.linear.gather [hbm4b:s16+s4], $0x2800, $0x38;
	[tilespmem:$0x1EA00] =	vst v63  }
0x20: {  	_ =	swait.ge [sflag:s23], $0x2800  }
0x21: {  	[sflag:s23] =	ssyncset.done $0x0  }
0x22: {  	s19 =	rddreg [dreg:$0x4];
	[sflag:s23] =	ssyncadd.s32 $0xFFFFD800  }
0x23: {  	[tilespmem:s24], [sflag:$0x6] =	stream.linear.gather [hbm4b:s19+s4], $0x4000, $0x38;
	[tilespmem:$0x1EA00] =	vst v63  }
0x24: {  	_ =	swait.ge [sflag:s23], $0x4000  }
0x25: {  	[sflag:s23] =	ssyncset.done $0x0  }
0x26: {  	[sflag:s23] =	ssyncadd.s32 $0xFFFFC000  }
0x27: {  	[spmem:s9] =	stream.linear.scatter [tilespmem:s24], [sflag:$0x2], $0x4000, $0x38;
	[tilespmem:$0x1EA00] =	vst v63  }
0x28: {  	_ = 	snop  }
0x29: {  	[spmem:s10] =	stream.linear.scatter [tilespmem:s24], [sflag:$0x2], $0x4000, $0x38;
	[tilespmem:$0x1EA00] =	vst v63  }
0x2a: {  	_ = 	snop  }
0x2b: {  	[spmem:s11] =	stream.linear.scatter [tilespmem:s24], [sflag:$0x2], $0x4000, $0x38;
	[tilespmem:$0x1EA00] =	vst v63  }
0x2c: {  	_ = 	snop  }
0x2d: {  	[spmem:s12] =	stream.linear.scatter [tilespmem:s24], [sflag:$0x2], $0x4000, $0x38;
	[tilespmem:$0x1EA00] =	vst v63  }
0x2e: {  	_ = 	snop  }
0x2f: {  	[spmem:s13] =	stream.linear.scatter [tilespmem:s24], [sflag:$0x2], $0x4000, $0x38;
	[tilespmem:$0x1EA00] =	vst v63  }
0x30: {  	_ =	swait.ge [sflag:s25], $0x4000  }
0x31: {  	[sflag:s25] =	ssyncset.done $0x0  }
0x32: {  	[sflag:s25] =	ssyncadd.s32 $0xFFFFC000  }
0x33: {  	_ =	swait.ge [sflag:s25], $0x4000  }
0x34: {  	[sflag:s25] =	ssyncset.done $0x0  }
0x35: {  	[sflag:s25] =	ssyncadd.s32 $0xFFFFC000  }
0x36: {  	_ =	swait.ge [sflag:s25], $0x4000  }
0x37: {  	[sflag:s25] =	ssyncset.done $0x0  }
0x38: {  	[sflag:s25] =	ssyncadd.s32 $0xFFFFC000  }
0x39: {  	_ =	swait.ge [sflag:s25], $0x4000  }
0x3a: {  	[sflag:s25] =	ssyncset.done $0x0  }
0x3b: {  	[sflag:s25] =	ssyncadd.s32 $0xFFFFC000  }
0x3c: {  	_ =	swait.ge [sflag:s25], $0x4000  }
0x3d: {  	[sflag:s25] =	ssyncset.done $0x0  }
0x3e: {  	[sflag:s25] =	ssyncadd.s32 $0xFFFFC000  }
0x3f: {  	s16 =	simm.s32 $0x0;
	[bflag:$0x0] =	sbarrier.arrive $0xFFFF  }
.LBB2_2:
0x40: {  	p0 =	seq.s32 s16, $0x0  }
0x41: {  	s17 =	simm.s32 @!p0 $0x4  }
0x42: {  	_ =	swait.ge @!p0 [sflag:s17], $0x4000  }
0x43: {  	[sflag:s17] =	ssyncset.done @!p0 $0x0  }
0x44: {  	s18 =	sadd.s32 s16, s21;
	[sflag:s17] =	ssyncadd.s32 @!p0 $0xFFFFC000;
	s17 =	simm.s32 @!p0 $0x5  }
0x45: {  	s19 =	sand.u32 $0x60, s16;
	s18 =	sand.u32 $0x1FF80, s18;
	_ =	swait.ge @!p0 [sflag:s17], $0x4000  }
0x46: {  	s18 =	sor.u32 s19, s18;
	[sflag:s17] =	ssyncset.done @!p0 $0x0  }
0x47: {  	s19 =	sadd.s32 s5, s18;
	[sflag:s17] =	ssyncadd.s32 @!p0 $0xFFFFC000;
	s17 =	sor.u32 $0x10, s18  }
0x48: {  	[tilespmem:s26], [sflag:$0x1] =	stream.linear.gather [hbm4b:s19+s4], $0x80, $0x38;
	[tilespmem:$0x1EA00] =	vst v63  }
0x49: {  	s19 =	sadd.s32 s5, s17  }
0x4a: {  	[tilespmem:s28], [sflag:$0x1] =	stream.linear.gather [hbm4b:s19+s4], $0x80, $0x38;
	[tilespmem:$0x1EA00] =	vst v63  }
0x4b: {  	s18 =	sadd.s32 s6, s18  }
0x4c: {  	[tilespmem:s29], [sflag:$0x1] =	stream.linear.gather [hbm4b:s18+s4], $0x80, $0x38;
	[tilespmem:$0x1EA00] =	vst v63  }
0x4d: {  	s17 =	sadd.s32 s6, s17  }
0x4e: {  	[tilespmem:s30], [sflag:$0x1] =	stream.linear.gather [hbm4b:s17+s4], $0x80, $0x38;
	[tilespmem:$0x1EA00] =	vst v63  }
0x4f: {  	_ =	swait.ge [sflag:s31], $0x80  }
0x50: {  	[sflag:s31] =	ssyncset.done $0x0  }
0x51: {  	[sflag:s31] =	ssyncadd.s32 $0xFFFFFF80  }
0x52: {  	_ =	swait.ge [sflag:s31], $0x80  }
0x53: {  	[sflag:s31] =	ssyncset.done $0x0  }
0x54: {  	[sflag:s31] =	ssyncadd.s32 $0xFFFFFF80  }
0x55: {  	_ =	swait.ge [sflag:s31], $0x80  }
0x56: {  	[sflag:s31] =	ssyncset.done $0x0  }
0x57: {  	[sflag:s31] =	ssyncadd.s32 $0xFFFFFF80  }
0x58: {  	_ =	swait.ge [sflag:s31], $0x80  }
0x59: {  	[sflag:s31] =	ssyncset.done $0x0  }
0x5a: {  	[sflag:s31] =	ssyncadd.s32 $0xFFFFFF80  }
0x5b: {  	[tilespmem:s24], [sflag:$0x2] =	stream.indirect.gather [hbm4b:s1+s0], $0x80, s26, s0, $0xb8;
	[tilespmem:$0x1EA00] =	vst v63  }
0x5c: {  	_ = 	snop  }
0x5d: {  	[tilespmem:s3], [sflag:$0x3] =	stream.indirect.gather [hbm4b:s1+s0], $0x80, s28, s0, $0xb8;
	[tilespmem:$0x1EA00] =	vst v63  }
0x5e: {  	v1 =	vld [tilespmem:$0x16900];
	_ =	sdelay $0x7  }
0x5f: {  	[tilespmem:v1+s22+$0x0] =	vst.idx.add.f32.msk $0xffff, v0  }
0x60: {  	v1 =	vld [tilespmem:$0x16980];
	_ =	sdelay $0x7  }
0x61: {  	[tilespmem:v1+s22+$0x0] =	vst.idx.add.f32.msk $0xffff, v0  }
0x62: {  	v1 =	vld [tilespmem:$0x16910];
	_ =	sdelay $0x7  }
0x63: {  	[tilespmem:v1+s22+$0x0] =	vst.idx.add.f32.msk $0xffff, v0  }
0x64: {  	v1 =	vld [tilespmem:$0x16990];
	_ =	sdelay $0x7  }
0x65: {  	[tilespmem:v1+s22+$0x0] =	vst.idx.add.f32.msk $0xffff, v0  }
0x66: {  	v1 =	vld [tilespmem:$0x16920];
	_ =	sdelay $0x7  }
0x67: {  	[tilespmem:v1+s22+$0x0] =	vst.idx.add.f32.msk $0xffff, v0  }
0x68: {  	v1 =	vld [tilespmem:$0x169A0];
	_ =	sdelay $0x7  }
0x69: {  	[tilespmem:v1+s22+$0x0] =	vst.idx.add.f32.msk $0xffff, v0  }
0x6a: {  	v1 =	vld [tilespmem:$0x16930];
	_ =	sdelay $0x7  }
0x6b: {  	[tilespmem:v1+s22+$0x0] =	vst.idx.add.f32.msk $0xffff, v0  }
0x6c: {  	v1 =	vld [tilespmem:$0x169B0];
	_ =	sdelay $0x7  }
0x6d: {  	[tilespmem:v1+s22+$0x0] =	vst.idx.add.f32.msk $0xffff, v0  }
0x6e: {  	v1 =	vld [tilespmem:$0x16940];
	_ =	sdelay $0x7  }
0x6f: {  	[tilespmem:v1+s22+$0x0] =	vst.idx.add.f32.msk $0xffff, v0  }
0x70: {  	v1 =	vld [tilespmem:$0x169C0];
	_ =	sdelay $0x7  }
0x71: {  	[tilespmem:v1+s22+$0x0] =	vst.idx.add.f32.msk $0xffff, v0  }
0x72: {  	v1 =	vld [tilespmem:$0x16950];
	_ =	sdelay $0x7  }
0x73: {  	[tilespmem:v1+s22+$0x0] =	vst.idx.add.f32.msk $0xffff, v0  }
0x74: {  	v1 =	vld [tilespmem:$0x169D0];
	_ =	sdelay $0x7  }
0x75: {  	[tilespmem:v1+s22+$0x0] =	vst.idx.add.f32.msk $0xffff, v0  }
0x76: {  	v1 =	vld [tilespmem:$0x16960];
	_ =	sdelay $0x7  }
0x77: {  	[tilespmem:v1+s22+$0x0] =	vst.idx.add.f32.msk $0xffff, v0  }
0x78: {  	v1 =	vld [tilespmem:$0x169E0];
	_ =	sdelay $0x7  }
0x79: {  	[tilespmem:v1+s22+$0x0] =	vst.idx.add.f32.msk $0xffff, v0  }
0x7a: {  	v1 =	vld [tilespmem:$0x16970];
	_ =	sdelay $0x7  }
0x7b: {  	[tilespmem:v1+s22+$0x0] =	vst.idx.add.f32.msk $0xffff, v0  }
0x7c: {  	v1 =	vld [tilespmem:$0x169F0];
	_ =	sdelay $0x7  }
0x7d: {  	[tilespmem:v1+s22+$0x0] =	vst.idx.add.f32.msk $0xffff, v0  }
0x7e: {  	_ =	swait.ge [sflag:s25], $0x4000  }
0x7f: {  	s16 =	sadd.s32 $0x20, s16;
	[sflag:s25] =	ssyncset.done $0x0  }
0x80: {  	p0 =	sne.s32 s16, $0x500;
	[sflag:s25] =	ssyncadd.s32 $0xFFFFC000  }
0x81: {  	[spmem:s2] =	stream.indirect.scatter.add.f32 [tilespmem:s24], [sflag:$0x4], $0x80, s29, s0, $0xb8;
	[tilespmem:$0x1EA00] =	vst v63  }
.Ltmp0:
0x82: {  	_ = 	snop;
	(pc) =	sbr.rel @p0 .LBB2_2-.Ltmp0, $4  }
0x83: {  	_ =	swait.ge [sflag:s7], $0x4000  }
0x84: {  	[sflag:s7] =	ssyncset.done $0x0  }
0x85: {  	[sflag:s7] =	ssyncadd.s32 $0xFFFFC000  }
0x86: {  	[spmem:s2] =	stream.indirect.scatter.add.f32 [tilespmem:s3], [sflag:$0x5], $0x80, s30, s0, $0xb8;
	[tilespmem:$0x1EA00] =	vst v63  }
0x87: {  	_ =	swait.ge [sflag:s8], $0x4000  }
0x88: {  	[sflag:s8] =	ssyncset.done $0x0  }
0x89: {  	[sflag:s8] =	ssyncadd.s32 $0xFFFFC000  }
0x8a: {  	_ =	swait.ge [sflag:s14], $0x4000  }
0x8b: {  	[sflag:s14] =	ssyncset.done $0x0  }
0x8c: {  	[sflag:s14] =	ssyncadd.s32 $0xFFFFC000  }
0x8d: {  	[bflag:$0x0] =	sbarrier.arrive $0xFFFF  }
0x8e: {  	s17 =	simm.s32 $0x400;
	s16 =	rddreg [dreg:$0x6]  }
0x8f: {  	[hbm4b:s16+s0] =	stream.strided.scatter [tilespmem:s22], [sflag:$0x1], $0x2800, s17, s0, $0x38;
	[tilespmem:$0x1EA00] =	vst v63  }
0x90: {  	_ = 	snop  }
0x91: {  	[tilespmem:s24], [sflag:$0x2] =	stream.linear.gather [spmem:s9], $0x4000, $0x38;
	[tilespmem:$0x1EA00] =	vst v63  }
0x92: {  	_ =	swait.ge [sflag:s25], $0x4000  }
0x93: {  	[sflag:s25] =	ssyncset.done $0x0  }
0x94: {  	s18 =	rddreg [dreg:$0x7];
	[sflag:s25] =	ssyncadd.s32 $0xFFFFC000  }
0x95: {  	[hbm4b:s18+s4] =	stream.linear.scatter [tilespmem:s24], [sflag:$0x4], $0x4000, $0x38;
	[tilespmem:$0x1EA00] =	vst v63  }
0x96: {  	_ = 	snop  }
0x97: {  	[tilespmem:s3], [sflag:$0x3] =	stream.linear.gather [spmem:s10], $0x4000, $0x38;
	[tilespmem:$0x1EA00] =	vst v63  }
0x98: {  	_ =	swait.ge [sflag:s7], $0x4000  }
0x99: {  	[sflag:s7] =	ssyncset.done $0x0  }
0x9a: {  	s19 =	rddreg [dreg:$0x8];
	[sflag:s7] =	ssyncadd.s32 $0xFFFFC000  }
0x9b: {  	[hbm4b:s19+s4] =	stream.linear.scatter [tilespmem:s3], [sflag:$0x5], $0x4000, $0x38;
	[tilespmem:$0x1EA00] =	vst v63  }
0x9c: {  	_ =	swait.ge [sflag:s8], $0x4000  }
0x9d: {  	[sflag:s8] =	ssyncset.done $0x0  }
0x9e: {  	[sflag:s8] =	ssyncadd.s32 $0xFFFFC000  }
0x9f: {  	[tilespmem:s24], [sflag:$0x2] =	stream.linear.gather [spmem:s11], $0x4000, $0x38;
	[tilespmem:$0x1EA00] =	vst v63  }
0xa0: {  	_ =	swait.ge [sflag:s25], $0x4000  }
0xa1: {  	[sflag:s25] =	ssyncset.done $0x0  }
0xa2: {  	s17 =	rddreg [dreg:$0x9];
	[sflag:s25] =	ssyncadd.s32 $0xFFFFC000  }
0xa3: {  	[hbm4b:s17+s4] =	stream.linear.scatter [tilespmem:s24], [sflag:$0x4], $0x4000, $0x38;
	[tilespmem:$0x1EA00] =	vst v63  }
0xa4: {  	_ =	swait.ge [sflag:s14], $0x4000  }
0xa5: {  	[sflag:s14] =	ssyncset.done $0x0  }
0xa6: {  	[sflag:s14] =	ssyncadd.s32 $0xFFFFC000  }
0xa7: {  	[tilespmem:s3], [sflag:$0x3] =	stream.linear.gather [spmem:s12], $0x4000, $0x38;
	[tilespmem:$0x1EA00] =	vst v63  }
0xa8: {  	_ =	swait.ge [sflag:s7], $0x4000  }
0xa9: {  	[sflag:s7] =	ssyncset.done $0x0  }
0xaa: {  	s18 =	rddreg [dreg:$0xa];
	[sflag:s7] =	ssyncadd.s32 $0xFFFFC000  }
0xab: {  	[hbm4b:s18+s4] =	stream.linear.scatter [tilespmem:s3], [sflag:$0x5], $0x4000, $0x38;
	[tilespmem:$0x1EA00] =	vst v63  }
0xac: {  	_ =	swait.ge [sflag:s8], $0x4000  }
0xad: {  	[sflag:s8] =	ssyncset.done $0x0  }
0xae: {  	[sflag:s8] =	ssyncadd.s32 $0xFFFFC000  }
0xaf: {  	[tilespmem:s24], [sflag:$0x2] =	stream.linear.gather [spmem:s13], $0x4000, $0x38;
	[tilespmem:$0x1EA00] =	vst v63  }
0xb0: {  	_ =	swait.ge [sflag:s25], $0x4000  }
0xb1: {  	[sflag:s25] =	ssyncset.done $0x0  }
0xb2: {  	s19 =	rddreg [dreg:$0xb];
	[sflag:s25] =	ssyncadd.s32 $0xFFFFC000  }
0xb3: {  	[hbm4b:s19+s4] =	stream.linear.scatter [tilespmem:s24], [sflag:$0x4], $0x4000, $0x38;
	[tilespmem:$0x1EA00] =	vst v63  }
0xb4: {  	_ =	swait.ge [sflag:s14], $0x4000  }
0xb5: {  	[sflag:s14] =	ssyncset.done $0x0  }
0xb6: {  	s15 =	sadd.s32 $0x1, s15;
	[sflag:s14] =	ssyncadd.s32 $0xFFFFC000  }
0xb7: {  	p0 =	sne.s32 s15, s20;
	_ =	swait.ge [sflag:s8], $0x4000  }
.Ltmp1:
0xb8: {  	[sflag:s8] =	ssyncset.done $0x0;
	(pc) =	sbr.rel @p0 .LBB2_1-.Ltmp1, $4  }
0xb9: {  	[sflag:s8] =	ssyncadd.s32 $0xFFFFC000  }
0xba: {  	_ =	swait.ge [sflag:s31], $0x2800  }
0xbb: {  	[sflag:s31] =	ssyncset.done $0x0  }
0xbc: {  	[sflag:s31] =	ssyncadd.s32 $0xFFFFD800  }
0xbd: {  	_ =	sfence.sel $0x180000  }
0xbe: {  	[bflag:$0x0] =	sbarrier.arrive $0xFFFF  }
0xbf: {  	_ =	strace $0x9000004A  }
0xc0: {  	s0 =	stileid.u32;
	[bflag:$0x2] =	sbarrier.arrive $0xFFFF  }
0xc1: {  	p0 =	sne.s32 s0, $0x0;
	s0 =	rddreg [dreg:$0x3]  }
0xc2: {  	s0 =	sadd.s32 @!p0 $0x100000, s0  }
0xc3: {  	[sflag:s0] =	ssyncadd.tile.s32 @!p0 $0x1;
	_ =	shalt  }
.Lfunc_end2:
_tile_overlayer_lowered:
.L_overlay_start_2:
0xc4: {  	(tag) =	ssettag $0x2  }
0xc5: {  	s0 =	rddreg [dreg:$0x0];
	s2 =	stileid.u32  }
0xc6: {  	s1 =	rddreg [dreg:$0x1];
	p0 =	sne.s32 s2, $0x0  }
0xc7: {  	s3 =	rddreg [dreg:$0x2];
	[bflag:$0x3] =	sbarrier.arrive $0xFFFF;
	s2 =	simm.s32 @!p0 $0x1C06  }
0xc8: {  	[timem:s3], [sflag:s2] =	dma.local @!p0 [hbm:s0], s1  }
0xc9: {  	s0 =	simm.s32 @!p0 $0x6  }
0xca: {  	_ =	swait.ge @!p0 [sflag:s0], s1  }
0xcb: {  	s1 =	ssub.s32 @!p0 $0x0, s1;
	[sflag:s0] =	ssyncset.done @!p0 $0x0  }
0xcc: {  	[sflag:s0] =	ssyncadd.s32 @!p0 s1  }
0xcd: {  	[bflag:$0x3] =	sbarrier.arrive $0xFFFF  }
0xce: {  	_ =	shalt  }

</sc_bundles>
